<compile_context>
chip_gen: v7x
topology: tpu7x:2x2x1
jax: 0.10.2.dev20260603
libtpu: 0.0.44.dev20260713+nightly
codegen_flags: <defaults>
</compile_context>

<pallas_src>
import functools

import jax
import jax.numpy as jnp
from jax import lax
from jax.experimental import pallas as pl
from jax.experimental.pallas import tpu as pltpu
from jax.experimental.pallas import tpu_sc as plsc

_NC = 2
_NS = 16
_NW = _NC * _NS
_L = 16

_TC_COLS = 1024
_TC_ROWS = 256


@functools.lru_cache(maxsize=None)
def _build_sc(n, n_edges, n_bins):
    per_w = n // _NW
    chunk = min(16384, per_w)
    n_chunks = per_w // chunk
    iters = chunk // _L

    mesh = plsc.VectorSubcoreMesh(core_axis_name="c", subcore_axis_name="s")

    @functools.partial(
        pl.kernel,
        out_type=jax.ShapeDtypeStruct((_NW, _L), jnp.float32),
        mesh=mesh,
        compiler_params=pltpu.CompilerParams(needs_layout_passes=False),
        scratch_types=[
            pltpu.VMEM((2, chunk), jnp.float32),
            pltpu.VMEM((2, chunk), jnp.float32),
            pltpu.VMEM((_L,), jnp.float32),
            pltpu.VMEM((_L,), jnp.float32),
            pltpu.VMEM((_L,), jnp.float32),
            pltpu.SemaphoreType.DMA,
            pltpu.SemaphoreType.DMA,
            pltpu.SemaphoreType.DMA,
            pltpu.SemaphoreType.DMA,
        ],
    )
    def sc_loss(pred_hbm, tgt_hbm, edges_hbm, wts_hbm, out_hbm,
                pbuf, tbuf, ebuf, wbuf, accv, sp0, sp1, st0, st1):
        sems_p = (sp0, sp1)
        sems_t = (st0, st1)
        wid = lax.axis_index("s") * _NC + lax.axis_index("c")
        base = wid * per_w

        pltpu.sync_copy(edges_hbm, ebuf.at[pl.ds(0, n_edges)])
        pltpu.sync_copy(wts_hbm, wbuf.at[pl.ds(0, n_bins)])

        zero = jnp.zeros((_L,), jnp.float32)
        nbins_f = jnp.full((_L,), float(n_bins), jnp.float32)
        half_f = jnp.full((_L,), 0.5, jnp.float32)
        one_i = jnp.full((_L,), 1, jnp.int32)
        zero_i = jnp.zeros((_L,), jnp.int32)
        max_i = jnp.full((_L,), n_bins - 1, jnp.int32)

        lanes = lax.iota(jnp.int32, _L)
        wpad = plsc.load_gather(
            wbuf, [jnp.minimum(jnp.maximum(lanes - one_i, zero_i), max_i)])
        wbuf[...] = wpad

        def start(g):
            b = g % 2
            off = pl.multiple_of(base + g * chunk, 8)
            dp = pltpu.async_copy(pred_hbm.at[pl.ds(off, chunk)], pbuf.at[b], sems_p[b])
            dt = pltpu.async_copy(tgt_hbm.at[pl.ds(off, chunk)], tbuf.at[b], sems_t[b])
            return dp, dt

        def chunk_sum(b, acc0):
            @plsc.parallel_loop(0, iters, unroll=4, carry=acc0)
            def loop(i, acc):
                off = pl.ds(pl.multiple_of(i * _L, _L), _L)
                p16 = pbuf[b, off]
                t16 = tbuf[b, off]
                d = p16 - t16
                sq = d * d
                g = (t16 * nbins_f + half_f).astype(jnp.int32)
                elo = plsc.load_gather(ebuf, [g])
                j = g + jnp.where(t16 > elo, one_i, zero_i)
                w = plsc.load_gather(wbuf, [j])
                return acc + sq * w
            return loop

        desc = start(0)
        acc = zero
        for g in range(n_chunks):
            nxt = start(g + 1) if g + 1 < n_chunks else None
            desc[0].wait()
            desc[1].wait()
            acc = chunk_sum(g % 2, acc)
            desc = nxt

        accv[...] = acc
        pltpu.sync_copy(accv, out_hbm.at[wid])

    return sc_loss


_TC_BLK_ROWS = 4096
_TC_BLK = _TC_BLK_ROWS * 128


@functools.lru_cache(maxsize=None)
def _build_tc(blk0, n_blocks, n_edges, n_bins):
    def body(e_ref, w_ref, p_ref, t_ref, o_ref):
        i = pl.program_id(0)
        p = p_ref[...]
        t = t_ref[...]
        sq = (p - t) * (p - t)
        w = jnp.full(p.shape, w_ref[0], jnp.float32)
        for k in range(1, n_bins):
            w += jnp.where(t > e_ref[k], w_ref[k] - w_ref[k - 1],
                           jnp.float32(0.0))

        @pl.when(i == 0)
        def _():
            o_ref[0, 0] = jnp.float32(0.0)

        o_ref[0, 0] += jnp.sum(sq * w)

    return pl.pallas_call(
        body,
        grid=(n_blocks,),
        in_specs=[
            pl.BlockSpec(memory_space=pltpu.SMEM),
            pl.BlockSpec(memory_space=pltpu.SMEM),
            pl.BlockSpec((_TC_BLK_ROWS, 128), lambda i: (blk0 + i, 0)),
            pl.BlockSpec((_TC_BLK_ROWS, 128), lambda i: (blk0 + i, 0)),
        ],
        out_specs=pl.BlockSpec(memory_space=pltpu.SMEM),
        out_shape=jax.ShapeDtypeStruct((1, 1), jnp.float32),
    )


@jax.jit
def kernel(predictions, targets, bin_edges, bin_weights):
    predictions = jnp.squeeze(predictions)
    targets = jnp.squeeze(targets)
    n = predictions.shape[0]
    n_edges = bin_edges.shape[0]
    n_bins = bin_weights.shape[0]

    sc_quantum = _NW * 16384
    if n % (16 * sc_quantum) == 0 and (n - 7 * (n // 16)) % _TC_BLK == 0:
        n_sc = 7 * (n // 16)
        blk0 = n_sc // _TC_BLK
        n_blocks = (n - n_sc) // _TC_BLK
        sc_loss = _build_sc(n_sc, n_edges, n_bins)
        tc_loss = _build_tc(blk0, n_blocks, n_edges, n_bins)
        partials = sc_loss(predictions, targets, bin_edges, bin_weights)
        p2 = predictions.reshape(n // 128, 128)
        t2 = targets.reshape(n // 128, 128)
        tc_part = tc_loss(bin_edges, bin_weights, p2, t2)
        total = jnp.sum(partials) + tc_part[0, 0]
    else:
        sc_loss = _build_sc(n, n_edges, n_bins)
        partials = sc_loss(predictions, targets, bin_edges, bin_weights)
        total = jnp.sum(partials)
    return total / jnp.float32(n)

# --- scband reference (transcript-rebuilt; emitter-appended) ---
"""Pipeline reference for scband-inverse-frequency-mseloss-38706245271590 (READ-ONLY COPY).

The authoritative reference and input builder live on the scoring server;
editing this copy changes nothing except your own understanding.
"""

import jax, jax.numpy as jnp
import numpy as np

N_BINS = 10
MAX_WEIGHT = 20.0
TRAIN_LABELS = np.array([0.05, 0.07, 0.1, 0.12, 0.15, 0.18, 0.2, 0.22, 0.25, 0.28, 0.3, 0.32, 0.35, 0.38, 0.4, 0.42, 0.45, 0.48, 0.5, 0.52, 0.55, 0.6, 0.65, 0.7, 0.75, 0.8, 0.85, 0.9, 0.95, 0.05, 0.1, 0.1, 0.15, 0.2, 0.2, 0.25, 0.3, 0.3, 0.35, 0.4], dtype=np.float32)


def _build_buffers():
    bin_edges = jnp.linspace(0.0, 1.0, N_BINS + 1, dtype=jnp.float32)
    train_labels = jnp.asarray(TRAIN_LABELS)
    # torch.bucketize(x, edges) (right=False) == searchsorted(edges, x, side='left')
    bin_indices = jnp.searchsorted(bin_edges, train_labels, side='left') - 1
    bin_indices = jnp.clip(bin_indices, 0, N_BINS - 1)
    bin_counts = jnp.bincount(bin_indices, length=N_BINS).astype(jnp.float32)
    inv_freq = 1.0 / (bin_counts + 1.0)
    inv_freq = inv_freq / inv_freq.mean()
    bin_weights = jnp.clip(inv_freq, None, MAX_WEIGHT)
    return bin_edges, bin_weights


def setup_inputs(seed: int = 0) -> dict:
    key = jax.random.key(seed)
    k1, k2 = jax.random.split(key, 2)
    N = 8388608
    predictions = jax.random.uniform(k1, (N,), dtype=jnp.float32)
    targets = jax.random.uniform(k2, (N,), dtype=jnp.float32)
    bin_edges, bin_weights = _build_buffers()
    return {"predictions": predictions, "targets": targets, "bin_edges": bin_edges, "bin_weights": bin_weights}


def reference(predictions, targets, bin_edges, bin_weights):
    predictions = jnp.squeeze(predictions)
    targets = jnp.squeeze(targets)
    per_sample_loss = (predictions - targets) ** 2
    bin_indices = jnp.searchsorted(bin_edges, jax.lax.stop_gradient(targets), side='left') - 1
    bin_indices = jnp.clip(bin_indices, 0, bin_edges.shape[0] - 2)
    weights = bin_weights[bin_indices]
    return jnp.mean(per_sample_loss * weights)

if __name__ == "__main__":
    import jax
    _d = setup_inputs()
    print(jax.jit(kernel)(*tuple(_d.values())))

</pallas_src>

<mosaic_0001>
#map = affine_map<(d0, d1) -> (0)>
#map1 = affine_map<(d0, d1) -> (0, 0)>
module attributes {stable_mosaic.version = 14 : i64} {
  func.func @sc_loss(%arg0: i32, %arg1: i32, %arg2: memref<8388608xf32, #tpu.memory_space<hbm>>, %arg3: memref<8388608xf32, #tpu.memory_space<hbm>>, %arg4: memref<11xf32, #tpu.memory_space<hbm>>, %arg5: memref<10xf32, #tpu.memory_space<hbm>>, %arg6: memref<32x16xf32, #tpu.memory_space<hbm>>, %arg7: memref<2x16384xf32, #tpu.memory_space<vmem>>, %arg8: memref<2x16384xf32, #tpu.memory_space<vmem>>, %arg9: memref<16xf32, #tpu.memory_space<vmem>>, %arg10: memref<16xf32, #tpu.memory_space<vmem>>, %arg11: memref<16xf32, #tpu.memory_space<vmem>>, %arg12: memref<!tpu.dma_semaphore, #tpu.memory_space<semaphore_mem>>, %arg13: memref<!tpu.dma_semaphore, #tpu.memory_space<semaphore_mem>>, %arg14: memref<!tpu.dma_semaphore, #tpu.memory_space<semaphore_mem>>, %arg15: memref<!tpu.dma_semaphore, #tpu.memory_space<semaphore_mem>>) attributes {dimension_semantics = [#tpu.dimension_semantics<core_parallel>, #tpu.dimension_semantics<subcore_parallel>], iteration_bounds = array<i64: 2, 16>, scalar_prefetch = 0 : i64, scratch_operands = 9 : i64, tpu.core_type = #tpu.core_type<sc_vector_subcore>, window_params = [{transform_indices = #map}, {transform_indices = #map}, {transform_indices = #map}, {transform_indices = #map}, {transform_indices = #map1}]} {
    %mul3A = arith.constant 2 : i32
    %mul3A_0 = arith.muli %arg1, %mul3A : i32
    %add3A = arith.addi %mul3A_0, %arg0 : i32
    %mul3A_1 = arith.constant 114688 : i32
    %mul3A_2 = arith.muli %add3A, %mul3A_1 : i32
    "tpu.region"() ({
      %run_scoped3A = tpu.sem_alloc : memref<!tpu.dma_semaphore, #tpu.memory_space<semaphore_mem>>
      %dma_start3A_314 = arith.constant 0 : i32
      %dma_start3A_315 = tpu.memref_slice %arg9[%dma_start3A_314] : memref<16xf32, #tpu.memory_space<vmem>> -> memref<11xf32, #tpu.memory_space<vmem>>
      %dma_start3A_316 = arith.constant 0 : i32
      %dma_start3A_317 = tpu.memref_slice %arg9[%dma_start3A_316] : memref<16xf32, #tpu.memory_space<vmem>> -> memref<11xf32, #tpu.memory_space<vmem>>
      tpu.enqueue_dma source(%arg4 : memref<11xf32, #tpu.memory_space<hbm>>) target(%dma_start3A_317 : memref<11xf32, #tpu.memory_space<vmem>>) target_semaphore(%run_scoped3A : memref<!tpu.dma_semaphore, #tpu.memory_space<semaphore_mem>>)
      %dma_wait3A_318 = arith.constant 0 : i32
      %dma_wait3A_319 = tpu.memref_slice %arg9[%dma_wait3A_318] : memref<16xf32, #tpu.memory_space<vmem>> -> memref<11xf32, #tpu.memory_space<vmem>>
      %dma_wait3A_320 = arith.constant 0 : i32
      %dma_wait3A_321 = tpu.memref_slice %arg9[%dma_wait3A_320] : memref<16xf32, #tpu.memory_space<vmem>> -> memref<11xf32, #tpu.memory_space<vmem>>
      tpu.wait_dma2 semaphore(%run_scoped3A : memref<!tpu.dma_semaphore, #tpu.memory_space<semaphore_mem>>) src(%arg4 : memref<11xf32, #tpu.memory_space<hbm>>) dst(%dma_wait3A_321 : memref<11xf32, #tpu.memory_space<vmem>>)
      tpu.yield
    }) : () -> ()
    "tpu.region"() ({
      %run_scoped3A = tpu.sem_alloc : memref<!tpu.dma_semaphore, #tpu.memory_space<semaphore_mem>>
      %dma_start3A_314 = arith.constant 0 : i32
      %dma_start3A_315 = tpu.memref_slice %arg10[%dma_start3A_314] : memref<16xf32, #tpu.memory_space<vmem>> -> memref<10xf32, #tpu.memory_space<vmem>>
      %dma_start3A_316 = arith.constant 0 : i32
      %dma_start3A_317 = tpu.memref_slice %arg10[%dma_start3A_316] : memref<16xf32, #tpu.memory_space<vmem>> -> memref<10xf32, #tpu.memory_space<vmem>>
      tpu.enqueue_dma source(%arg5 : memref<10xf32, #tpu.memory_space<hbm>>) target(%dma_start3A_317 : memref<10xf32, #tpu.memory_space<vmem>>) target_semaphore(%run_scoped3A : memref<!tpu.dma_semaphore, #tpu.memory_space<semaphore_mem>>)
      %dma_wait3A_318 = arith.constant 0 : i32
      %dma_wait3A_319 = tpu.memref_slice %arg10[%dma_wait3A_318] : memref<16xf32, #tpu.memory_space<vmem>> -> memref<10xf32, #tpu.memory_space<vmem>>
      %dma_wait3A_320 = arith.constant 0 : i32
      %dma_wait3A_321 = tpu.memref_slice %arg10[%dma_wait3A_320] : memref<16xf32, #tpu.memory_space<vmem>> -> memref<10xf32, #tpu.memory_space<vmem>>
      tpu.wait_dma2 semaphore(%run_scoped3A : memref<!tpu.dma_semaphore, #tpu.memory_space<semaphore_mem>>) src(%arg5 : memref<10xf32, #tpu.memory_space<hbm>>) dst(%dma_wait3A_321 : memref<10xf32, #tpu.memory_space<vmem>>)
      tpu.yield
    }) : () -> ()
    %broadcast_in_dim3A = arith.constant 0.000000e+00 : f32
    %broadcast_in_dim3A_3 = vector.broadcast %broadcast_in_dim3A : f32 to vector<16xf32>
    %broadcast_in_dim3A_4 = arith.constant 1.000000e+01 : f32
    %broadcast_in_dim3A_5 = vector.broadcast %broadcast_in_dim3A_4 : f32 to vector<16xf32>
    %broadcast_in_dim3A_6 = arith.constant 5.000000e-01 : f32
    %broadcast_in_dim3A_7 = vector.broadcast %broadcast_in_dim3A_6 : f32 to vector<16xf32>
    %broadcast_in_dim3A_8 = arith.constant 1 : i32
    %broadcast_in_dim3A_9 = vector.broadcast %broadcast_in_dim3A_8 : i32 to vector<16xi32>
    %broadcast_in_dim3A_10 = arith.constant 0 : i32
    %broadcast_in_dim3A_11 = vector.broadcast %broadcast_in_dim3A_10 : i32 to vector<16xi32>
    %broadcast_in_dim3A_12 = arith.constant 9 : i32
    %broadcast_in_dim3A_13 = vector.broadcast %broadcast_in_dim3A_12 : i32 to vector<16xi32>
    %iota3A = tpu.iota {dimensions = array<i32: 0>} : vector<16xi32>
    %sub3A = arith.subi %iota3A, %broadcast_in_dim3A_9 : vector<16xi32>
    %max3A = arith.maxsi %sub3A, %broadcast_in_dim3A_11 : vector<16xi32>
    %min3A = arith.minsi %max3A, %broadcast_in_dim3A_13 : vector<16xi32>
    %gather3A = tpu.vector_load_idx %arg10[%min3A] : memref<16xf32, #tpu.memory_space<vmem>>[vector<16xi32>], vector<16xf32>,
    %swap3A = arith.constant 0 : index
    %swap3A_14 = tpu.vector_load %arg10[%swap3A] {strides = array<i32>} : memref<16xf32, #tpu.memory_space<vmem>>, vector<16xf32>,
    tpu.vector_store %arg10[%swap3A], %gather3A {strides = array<i32>} : memref<16xf32, #tpu.memory_space<vmem>>, vector<16xf32>,
    %add3A_15 = arith.constant 0 : i32
    %add3A_16 = arith.addi %mul3A_2, %add3A_15 : i32
    %multiple_of3A = tpu.assume_multiple %add3A_16, 8 : i32
    %dma_start3A = arith.constant 0 : i32
    %dma_start3A_17 = arith.constant 0 : i32
    %dma_start3A_18 = tpu.memref_slice %arg7[%dma_start3A, %dma_start3A_17] : memref<2x16384xf32, #tpu.memory_space<vmem>> -> memref<1x16384xf32, #tpu.memory_space<vmem>>
    %dma_start3A_19 = tpu.memref_squeeze %dma_start3A_18 : memref<1x16384xf32, #tpu.memory_space<vmem>> -> memref<16384xf32, #tpu.memory_space<vmem>>
    %dma_start3A_20 = tpu.memref_slice %arg2[%multiple_of3A] : memref<8388608xf32, #tpu.memory_space<hbm>> -> memref<16384xf32, #tpu.memory_space<hbm>>
    %dma_start3A_21 = arith.constant 0 : i32
    %dma_start3A_22 = tpu.memref_slice %arg7[%dma_start3A, %dma_start3A_21] : memref<2x16384xf32, #tpu.memory_space<vmem>> -> memref<1x16384xf32, #tpu.memory_space<vmem>>
    %dma_start3A_23 = tpu.memref_squeeze %dma_start3A_22 : memref<1x16384xf32, #tpu.memory_space<vmem>> -> memref<16384xf32, #tpu.memory_space<vmem>>
    %dma_start3A_24 = tpu.memref_slice %arg2[%multiple_of3A] : memref<8388608xf32, #tpu.memory_space<hbm>> -> memref<16384xf32, #tpu.memory_space<hbm>>
    tpu.enqueue_dma source(%dma_start3A_24 : memref<16384xf32, #tpu.memory_space<hbm>>) target(%dma_start3A_23 : memref<16384xf32, #tpu.memory_space<vmem>>) target_semaphore(%arg12 : memref<!tpu.dma_semaphore, #tpu.memory_space<semaphore_mem>>)
    %dma_start3A_25 = arith.constant 0 : i32
    %dma_start3A_26 = arith.constant 0 : i32
    %dma_start3A_27 = tpu.memref_slice %arg8[%dma_start3A_25, %dma_start3A_26] : memref<2x16384xf32, #tpu.memory_space<vmem>> -> memref<1x16384xf32, #tpu.memory_space<vmem>>
    %dma_start3A_28 = tpu.memref_squeeze %dma_start3A_27 : memref<1x16384xf32, #tpu.memory_space<vmem>> -> memref<16384xf32, #tpu.memory_space<vmem>>
    %dma_start3A_29 = tpu.memref_slice %arg3[%multiple_of3A] : memref<8388608xf32, #tpu.memory_space<hbm>> -> memref<16384xf32, #tpu.memory_space<hbm>>
    %dma_start3A_30 = arith.constant 0 : i32
    %dma_start3A_31 = tpu.memref_slice %arg8[%dma_start3A_25, %dma_start3A_30] : memref<2x16384xf32, #tpu.memory_space<vmem>> -> memref<1x16384xf32, #tpu.memory_space<vmem>>
    %dma_start3A_32 = tpu.memref_squeeze %dma_start3A_31 : memref<1x16384xf32, #tpu.memory_space<vmem>> -> memref<16384xf32, #tpu.memory_space<vmem>>
    %dma_start3A_33 = tpu.memref_slice %arg3[%multiple_of3A] : memref<8388608xf32, #tpu.memory_space<hbm>> -> memref<16384xf32, #tpu.memory_space<hbm>>
    tpu.enqueue_dma source(%dma_start3A_33 : memref<16384xf32, #tpu.memory_space<hbm>>) target(%dma_start3A_32 : memref<16384xf32, #tpu.memory_space<vmem>>) target_semaphore(%arg14 : memref<!tpu.dma_semaphore, #tpu.memory_space<semaphore_mem>>)
    %add3A_34 = arith.constant 16384 : i32
    %add3A_35 = arith.addi %mul3A_2, %add3A_34 : i32
    %multiple_of3A_36 = tpu.assume_multiple %add3A_35, 8 : i32
    %dma_start3A_37 = arith.constant 1 : i32
    %dma_start3A_38 = arith.constant 0 : i32
    %dma_start3A_39 = tpu.memref_slice %arg7[%dma_start3A_37, %dma_start3A_38] : memref<2x16384xf32, #tpu.memory_space<vmem>> -> memref<1x16384xf32, #tpu.memory_space<vmem>>
    %dma_start3A_40 = tpu.memref_squeeze %dma_start3A_39 : memref<1x16384xf32, #tpu.memory_space<vmem>> -> memref<16384xf32, #tpu.memory_space<vmem>>
    %dma_start3A_41 = tpu.memref_slice %arg2[%multiple_of3A_36] : memref<8388608xf32, #tpu.memory_space<hbm>> -> memref<16384xf32, #tpu.memory_space<hbm>>
    %dma_start3A_42 = arith.constant 0 : i32
    %dma_start3A_43 = tpu.memref_slice %arg7[%dma_start3A_37, %dma_start3A_42] : memref<2x16384xf32, #tpu.memory_space<vmem>> -> memref<1x16384xf32, #tpu.memory_space<vmem>>
    %dma_start3A_44 = tpu.memref_squeeze %dma_start3A_43 : memref<1x16384xf32, #tpu.memory_space<vmem>> -> memref<16384xf32, #tpu.memory_space<vmem>>
    %dma_start3A_45 = tpu.memref_slice %arg2[%multiple_of3A_36] : memref<8388608xf32, #tpu.memory_space<hbm>> -> memref<16384xf32, #tpu.memory_space<hbm>>
    tpu.enqueue_dma source(%dma_start3A_45 : memref<16384xf32, #tpu.memory_space<hbm>>) target(%dma_start3A_44 : memref<16384xf32, #tpu.memory_space<vmem>>) target_semaphore(%arg13 : memref<!tpu.dma_semaphore, #tpu.memory_space<semaphore_mem>>)
    %dma_start3A_46 = arith.constant 1 : i32
    %dma_start3A_47 = arith.constant 0 : i32
    %dma_start3A_48 = tpu.memref_slice %arg8[%dma_start3A_46, %dma_start3A_47] : memref<2x16384xf32, #tpu.memory_space<vmem>> -> memref<1x16384xf32, #tpu.memory_space<vmem>>
    %dma_start3A_49 = tpu.memref_squeeze %dma_start3A_48 : memref<1x16384xf32, #tpu.memory_space<vmem>> -> memref<16384xf32, #tpu.memory_space<vmem>>
    %dma_start3A_50 = tpu.memref_slice %arg3[%multiple_of3A_36] : memref<8388608xf32, #tpu.memory_space<hbm>> -> memref<16384xf32, #tpu.memory_space<hbm>>
    %dma_start3A_51 = arith.constant 0 : i32
    %dma_start3A_52 = tpu.memref_slice %arg8[%dma_start3A_46, %dma_start3A_51] : memref<2x16384xf32, #tpu.memory_space<vmem>> -> memref<1x16384xf32, #tpu.memory_space<vmem>>
    %dma_start3A_53 = tpu.memref_squeeze %dma_start3A_52 : memref<1x16384xf32, #tpu.memory_space<vmem>> -> memref<16384xf32, #tpu.memory_space<vmem>>
    %dma_start3A_54 = tpu.memref_slice %arg3[%multiple_of3A_36] : memref<8388608xf32, #tpu.memory_space<hbm>> -> memref<16384xf32, #tpu.memory_space<hbm>>
    tpu.enqueue_dma source(%dma_start3A_54 : memref<16384xf32, #tpu.memory_space<hbm>>) target(%dma_start3A_53 : memref<16384xf32, #tpu.memory_space<vmem>>) target_semaphore(%arg15 : memref<!tpu.dma_semaphore, #tpu.memory_space<semaphore_mem>>)
    %dma_wait3A = arith.constant 0 : i32
    %dma_wait3A_55 = arith.constant 0 : i32
    %dma_wait3A_56 = tpu.memref_slice %arg7[%dma_wait3A, %dma_wait3A_55] : memref<2x16384xf32, #tpu.memory_space<vmem>> -> memref<1x16384xf32, #tpu.memory_space<vmem>>
    %dma_wait3A_57 = tpu.memref_squeeze %dma_wait3A_56 : memref<1x16384xf32, #tpu.memory_space<vmem>> -> memref<16384xf32, #tpu.memory_space<vmem>>
    %dma_wait3A_58 = tpu.memref_slice %arg2[%multiple_of3A] : memref<8388608xf32, #tpu.memory_space<hbm>> -> memref<16384xf32, #tpu.memory_space<hbm>>
    %dma_wait3A_59 = arith.constant 0 : i32
    %dma_wait3A_60 = tpu.memref_slice %arg7[%dma_wait3A, %dma_wait3A_59] : memref<2x16384xf32, #tpu.memory_space<vmem>> -> memref<1x16384xf32, #tpu.memory_space<vmem>>
    %dma_wait3A_61 = tpu.memref_squeeze %dma_wait3A_60 : memref<1x16384xf32, #tpu.memory_space<vmem>> -> memref<16384xf32, #tpu.memory_space<vmem>>
    %dma_wait3A_62 = tpu.memref_slice %arg2[%multiple_of3A] : memref<8388608xf32, #tpu.memory_space<hbm>> -> memref<16384xf32, #tpu.memory_space<hbm>>
    tpu.wait_dma2 semaphore(%arg12 : memref<!tpu.dma_semaphore, #tpu.memory_space<semaphore_mem>>) src(%dma_wait3A_62 : memref<16384xf32, #tpu.memory_space<hbm>>) dst(%dma_wait3A_61 : memref<16384xf32, #tpu.memory_space<vmem>>)
    %dma_wait3A_63 = arith.constant 0 : i32
    %dma_wait3A_64 = arith.constant 0 : i32
    %dma_wait3A_65 = tpu.memref_slice %arg8[%dma_wait3A_63, %dma_wait3A_64] : memref<2x16384xf32, #tpu.memory_space<vmem>> -> memref<1x16384xf32, #tpu.memory_space<vmem>>
    %dma_wait3A_66 = tpu.memref_squeeze %dma_wait3A_65 : memref<1x16384xf32, #tpu.memory_space<vmem>> -> memref<16384xf32, #tpu.memory_space<vmem>>
    %dma_wait3A_67 = tpu.memref_slice %arg3[%multiple_of3A] : memref<8388608xf32, #tpu.memory_space<hbm>> -> memref<16384xf32, #tpu.memory_space<hbm>>
    %dma_wait3A_68 = arith.constant 0 : i32
    %dma_wait3A_69 = tpu.memref_slice %arg8[%dma_wait3A_63, %dma_wait3A_68] : memref<2x16384xf32, #tpu.memory_space<vmem>> -> memref<1x16384xf32, #tpu.memory_space<vmem>>
    %dma_wait3A_70 = tpu.memref_squeeze %dma_wait3A_69 : memref<1x16384xf32, #tpu.memory_space<vmem>> -> memref<16384xf32, #tpu.memory_space<vmem>>
    %dma_wait3A_71 = tpu.memref_slice %arg3[%multiple_of3A] : memref<8388608xf32, #tpu.memory_space<hbm>> -> memref<16384xf32, #tpu.memory_space<hbm>>
    tpu.wait_dma2 semaphore(%arg14 : memref<!tpu.dma_semaphore, #tpu.memory_space<semaphore_mem>>) src(%dma_wait3A_71 : memref<16384xf32, #tpu.memory_space<hbm>>) dst(%dma_wait3A_70 : memref<16384xf32, #tpu.memory_space<vmem>>)
    %parallel_loop3A = arith.constant 0 : i32
    %parallel_loop3A_72 = arith.constant 1024 : i32
    %parallel_loop3A_73 = arith.constant 1 : i32
    %parallel_loop3A_74 = scf.for %parallel_loop3A_314 = %parallel_loop3A to %parallel_loop3A_72 step %parallel_loop3A_73 iter_args(%parallel_loop3A_315 = %broadcast_in_dim3A_3) -> (vector<16xf32>)  : i32 {
      %parallel_loop3A_316 = arith.constant 16 : i32
      %parallel_loop3A_317 = arith.muli %parallel_loop3A_314, %parallel_loop3A_316 : i32
      %parallel_loop3A_318 = tpu.assume_multiple %parallel_loop3A_317, 16 : i32
      %parallel_loop3A_319 = arith.constant 0 : i32
      %parallel_loop3A_320 = arith.index_cast %parallel_loop3A_319 : i32 to index
      %parallel_loop3A_321 = arith.index_cast %parallel_loop3A_318 : i32 to index
      %parallel_loop3A_322 = tpu.vector_load %arg7[%parallel_loop3A_320, %parallel_loop3A_321] {strides = array<i32>} : memref<2x16384xf32, #tpu.memory_space<vmem>>, vector<16xf32>,
      %parallel_loop3A_323 = arith.constant 0 : i32
      %parallel_loop3A_324 = arith.index_cast %parallel_loop3A_323 : i32 to index
      %parallel_loop3A_325 = arith.index_cast %parallel_loop3A_318 : i32 to index
      %parallel_loop3A_326 = tpu.vector_load %arg8[%parallel_loop3A_324, %parallel_loop3A_325] {strides = array<i32>} : memref<2x16384xf32, #tpu.memory_space<vmem>>, vector<16xf32>,
      %parallel_loop3A_327 = arith.subf %parallel_loop3A_322, %parallel_loop3A_326 : vector<16xf32>
      %parallel_loop3A_328 = arith.mulf %parallel_loop3A_327, %parallel_loop3A_327 : vector<16xf32>
      %parallel_loop3A_329 = arith.mulf %parallel_loop3A_326, %broadcast_in_dim3A_5 : vector<16xf32>
      %parallel_loop3A_330 = arith.addf %parallel_loop3A_329, %broadcast_in_dim3A_7 : vector<16xf32>
      %parallel_loop3A_331 = arith.fptosi %parallel_loop3A_330 : vector<16xf32> to vector<16xi32>
      %parallel_loop3A_332 = tpu.vector_load_idx %arg9[%parallel_loop3A_331] : memref<16xf32, #tpu.memory_space<vmem>>[vector<16xi32>], vector<16xf32>,
      %parallel_loop3A_333 = arith.cmpf ogt, %parallel_loop3A_326, %parallel_loop3A_332 : vector<16xf32>
      %parallel_loop3A_334 = arith.select %parallel_loop3A_333, %broadcast_in_dim3A_9, %broadcast_in_dim3A_11 : vector<16xi1>, vector<16xi32>
      %parallel_loop3A_335 = arith.addi %parallel_loop3A_331, %parallel_loop3A_334 : vector<16xi32>
      %parallel_loop3A_336 = tpu.vector_load_idx %arg10[%parallel_loop3A_335] : memref<16xf32, #tpu.memory_space<vmem>>[vector<16xi32>], vector<16xf32>,
      %parallel_loop3A_337 = arith.mulf %parallel_loop3A_328, %parallel_loop3A_336 : vector<16xf32>
      %parallel_loop3A_338 = arith.addf %parallel_loop3A_315, %parallel_loop3A_337 : vector<16xf32>
      scf.yield %parallel_loop3A_338 : vector<16xf32>
    } {sc.loop_unroll_factor = 4 : i64, sc.parallel_access}
    %add3A_75 = arith.constant 32768 : i32
    %add3A_76 = arith.addi %mul3A_2, %add3A_75 : i32
    %multiple_of3A_77 = tpu.assume_multiple %add3A_76, 8 : i32
    %dma_start3A_78 = arith.constant 0 : i32
    %dma_start3A_79 = arith.constant 0 : i32
    %dma_start3A_80 = tpu.memref_slice %arg7[%dma_start3A_78, %dma_start3A_79] : memref<2x16384xf32, #tpu.memory_space<vmem>> -> memref<1x16384xf32, #tpu.memory_space<vmem>>
    %dma_start3A_81 = tpu.memref_squeeze %dma_start3A_80 : memref<1x16384xf32, #tpu.memory_space<vmem>> -> memref<16384xf32, #tpu.memory_space<vmem>>
    %dma_start3A_82 = tpu.memref_slice %arg2[%multiple_of3A_77] : memref<8388608xf32, #tpu.memory_space<hbm>> -> memref<16384xf32, #tpu.memory_space<hbm>>
    %dma_start3A_83 = arith.constant 0 : i32
    %dma_start3A_84 = tpu.memref_slice %arg7[%dma_start3A_78, %dma_start3A_83] : memref<2x16384xf32, #tpu.memory_space<vmem>> -> memref<1x16384xf32, #tpu.memory_space<vmem>>
    %dma_start3A_85 = tpu.memref_squeeze %dma_start3A_84 : memref<1x16384xf32, #tpu.memory_space<vmem>> -> memref<16384xf32, #tpu.memory_space<vmem>>
    %dma_start3A_86 = tpu.memref_slice %arg2[%multiple_of3A_77] : memref<8388608xf32, #tpu.memory_space<hbm>> -> memref<16384xf32, #tpu.memory_space<hbm>>
    tpu.enqueue_dma source(%dma_start3A_86 : memref<16384xf32, #tpu.memory_space<hbm>>) target(%dma_start3A_85 : memref<16384xf32, #tpu.memory_space<vmem>>) target_semaphore(%arg12 : memref<!tpu.dma_semaphore, #tpu.memory_space<semaphore_mem>>)
    %dma_start3A_87 = arith.constant 0 : i32
    %dma_start3A_88 = arith.constant 0 : i32
    %dma_start3A_89 = tpu.memref_slice %arg8[%dma_start3A_87, %dma_start3A_88] : memref<2x16384xf32, #tpu.memory_space<vmem>> -> memref<1x16384xf32, #tpu.memory_space<vmem>>
    %dma_start3A_90 = tpu.memref_squeeze %dma_start3A_89 : memref<1x16384xf32, #tpu.memory_space<vmem>> -> memref<16384xf32, #tpu.memory_space<vmem>>
    %dma_start3A_91 = tpu.memref_slice %arg3[%multiple_of3A_77] : memref<8388608xf32, #tpu.memory_space<hbm>> -> memref<16384xf32, #tpu.memory_space<hbm>>
    %dma_start3A_92 = arith.constant 0 : i32
    %dma_start3A_93 = tpu.memref_slice %arg8[%dma_start3A_87, %dma_start3A_92] : memref<2x16384xf32, #tpu.memory_space<vmem>> -> memref<1x16384xf32, #tpu.memory_space<vmem>>
    %dma_start3A_94 = tpu.memref_squeeze %dma_start3A_93 : memref<1x16384xf32, #tpu.memory_space<vmem>> -> memref<16384xf32, #tpu.memory_space<vmem>>
    %dma_start3A_95 = tpu.memref_slice %arg3[%multiple_of3A_77] : memref<8388608xf32, #tpu.memory_space<hbm>> -> memref<16384xf32, #tpu.memory_space<hbm>>
    tpu.enqueue_dma source(%dma_start3A_95 : memref<16384xf32, #tpu.memory_space<hbm>>) target(%dma_start3A_94 : memref<16384xf32, #tpu.memory_space<vmem>>) target_semaphore(%arg14 : memref<!tpu.dma_semaphore, #tpu.memory_space<semaphore_mem>>)
    %dma_wait3A_96 = arith.constant 1 : i32
    %dma_wait3A_97 = arith.constant 0 : i32
    %dma_wait3A_98 = tpu.memref_slice %arg7[%dma_wait3A_96, %dma_wait3A_97] : memref<2x16384xf32, #tpu.memory_space<vmem>> -> memref<1x16384xf32, #tpu.memory_space<vmem>>
    %dma_wait3A_99 = tpu.memref_squeeze %dma_wait3A_98 : memref<1x16384xf32, #tpu.memory_space<vmem>> -> memref<16384xf32, #tpu.memory_space<vmem>>
    %dma_wait3A_100 = tpu.memref_slice %arg2[%multiple_of3A_36] : memref<8388608xf32, #tpu.memory_space<hbm>> -> memref<16384xf32, #tpu.memory_space<hbm>>
    %dma_wait3A_101 = arith.constant 0 : i32
    %dma_wait3A_102 = tpu.memref_slice %arg7[%dma_wait3A_96, %dma_wait3A_101] : memref<2x16384xf32, #tpu.memory_space<vmem>> -> memref<1x16384xf32, #tpu.memory_space<vmem>>
    %dma_wait3A_103 = tpu.memref_squeeze %dma_wait3A_102 : memref<1x16384xf32, #tpu.memory_space<vmem>> -> memref<16384xf32, #tpu.memory_space<vmem>>
    %dma_wait3A_104 = tpu.memref_slice %arg2[%multiple_of3A_36] : memref<8388608xf32, #tpu.memory_space<hbm>> -> memref<16384xf32, #tpu.memory_space<hbm>>
    tpu.wait_dma2 semaphore(%arg13 : memref<!tpu.dma_semaphore, #tpu.memory_space<semaphore_mem>>) src(%dma_wait3A_104 : memref<16384xf32, #tpu.memory_space<hbm>>) dst(%dma_wait3A_103 : memref<16384xf32, #tpu.memory_space<vmem>>)
    %dma_wait3A_105 = arith.constant 1 : i32
    %dma_wait3A_106 = arith.constant 0 : i32
    %dma_wait3A_107 = tpu.memref_slice %arg8[%dma_wait3A_105, %dma_wait3A_106] : memref<2x16384xf32, #tpu.memory_space<vmem>> -> memref<1x16384xf32, #tpu.memory_space<vmem>>
    %dma_wait3A_108 = tpu.memref_squeeze %dma_wait3A_107 : memref<1x16384xf32, #tpu.memory_space<vmem>> -> memref<16384xf32, #tpu.memory_space<vmem>>
    %dma_wait3A_109 = tpu.memref_slice %arg3[%multiple_of3A_36] : memref<8388608xf32, #tpu.memory_space<hbm>> -> memref<16384xf32, #tpu.memory_space<hbm>>
    %dma_wait3A_110 = arith.constant 0 : i32
    %dma_wait3A_111 = tpu.memref_slice %arg8[%dma_wait3A_105, %dma_wait3A_110] : memref<2x16384xf32, #tpu.memory_space<vmem>> -> memref<1x16384xf32, #tpu.memory_space<vmem>>
    %dma_wait3A_112 = tpu.memref_squeeze %dma_wait3A_111 : memref<1x16384xf32, #tpu.memory_space<vmem>> -> memref<16384xf32, #tpu.memory_space<vmem>>
    %dma_wait3A_113 = tpu.memref_slice %arg3[%multiple_of3A_36] : memref<8388608xf32, #tpu.memory_space<hbm>> -> memref<16384xf32, #tpu.memory_space<hbm>>
    tpu.wait_dma2 semaphore(%arg15 : memref<!tpu.dma_semaphore, #tpu.memory_space<semaphore_mem>>) src(%dma_wait3A_113 : memref<16384xf32, #tpu.memory_space<hbm>>) dst(%dma_wait3A_112 : memref<16384xf32, #tpu.memory_space<vmem>>)
    %parallel_loop3A_114 = arith.constant 0 : i32
    %parallel_loop3A_115 = arith.constant 1024 : i32
    %parallel_loop3A_116 = arith.constant 1 : i32
    %parallel_loop3A_117 = scf.for %parallel_loop3A_314 = %parallel_loop3A_114 to %parallel_loop3A_115 step %parallel_loop3A_116 iter_args(%parallel_loop3A_315 = %parallel_loop3A_74) -> (vector<16xf32>)  : i32 {
      %parallel_loop3A_316 = arith.constant 16 : i32
      %parallel_loop3A_317 = arith.muli %parallel_loop3A_314, %parallel_loop3A_316 : i32
      %parallel_loop3A_318 = tpu.assume_multiple %parallel_loop3A_317, 16 : i32
      %parallel_loop3A_319 = arith.constant 1 : i32
      %parallel_loop3A_320 = arith.index_cast %parallel_loop3A_319 : i32 to index
      %parallel_loop3A_321 = arith.index_cast %parallel_loop3A_318 : i32 to index
      %parallel_loop3A_322 = tpu.vector_load %arg7[%parallel_loop3A_320, %parallel_loop3A_321] {strides = array<i32>} : memref<2x16384xf32, #tpu.memory_space<vmem>>, vector<16xf32>,
      %parallel_loop3A_323 = arith.constant 1 : i32
      %parallel_loop3A_324 = arith.index_cast %parallel_loop3A_323 : i32 to index
      %parallel_loop3A_325 = arith.index_cast %parallel_loop3A_318 : i32 to index
      %parallel_loop3A_326 = tpu.vector_load %arg8[%parallel_loop3A_324, %parallel_loop3A_325] {strides = array<i32>} : memref<2x16384xf32, #tpu.memory_space<vmem>>, vector<16xf32>,
      %parallel_loop3A_327 = arith.subf %parallel_loop3A_322, %parallel_loop3A_326 : vector<16xf32>
      %parallel_loop3A_328 = arith.mulf %parallel_loop3A_327, %parallel_loop3A_327 : vector<16xf32>
      %parallel_loop3A_329 = arith.mulf %parallel_loop3A_326, %broadcast_in_dim3A_5 : vector<16xf32>
      %parallel_loop3A_330 = arith.addf %parallel_loop3A_329, %broadcast_in_dim3A_7 : vector<16xf32>
      %parallel_loop3A_331 = arith.fptosi %parallel_loop3A_330 : vector<16xf32> to vector<16xi32>
      %parallel_loop3A_332 = tpu.vector_load_idx %arg9[%parallel_loop3A_331] : memref<16xf32, #tpu.memory_space<vmem>>[vector<16xi32>], vector<16xf32>,
      %parallel_loop3A_333 = arith.cmpf ogt, %parallel_loop3A_326, %parallel_loop3A_332 : vector<16xf32>
      %parallel_loop3A_334 = arith.select %parallel_loop3A_333, %broadcast_in_dim3A_9, %broadcast_in_dim3A_11 : vector<16xi1>, vector<16xi32>
      %parallel_loop3A_335 = arith.addi %parallel_loop3A_331, %parallel_loop3A_334 : vector<16xi32>
      %parallel_loop3A_336 = tpu.vector_load_idx %arg10[%parallel_loop3A_335] : memref<16xf32, #tpu.memory_space<vmem>>[vector<16xi32>], vector<16xf32>,
      %parallel_loop3A_337 = arith.mulf %parallel_loop3A_328, %parallel_loop3A_336 : vector<16xf32>
      %parallel_loop3A_338 = arith.addf %parallel_loop3A_315, %parallel_loop3A_337 : vector<16xf32>
      scf.yield %parallel_loop3A_338 : vector<16xf32>
    } {sc.loop_unroll_factor = 4 : i64, sc.parallel_access}
    %add3A_118 = arith.constant 49152 : i32
    %add3A_119 = arith.addi %mul3A_2, %add3A_118 : i32
    %multiple_of3A_120 = tpu.assume_multiple %add3A_119, 8 : i32
    %dma_start3A_121 = arith.constant 1 : i32
    %dma_start3A_122 = arith.constant 0 : i32
    %dma_start3A_123 = tpu.memref_slice %arg7[%dma_start3A_121, %dma_start3A_122] : memref<2x16384xf32, #tpu.memory_space<vmem>> -> memref<1x16384xf32, #tpu.memory_space<vmem>>
    %dma_start3A_124 = tpu.memref_squeeze %dma_start3A_123 : memref<1x16384xf32, #tpu.memory_space<vmem>> -> memref<16384xf32, #tpu.memory_space<vmem>>
    %dma_start3A_125 = tpu.memref_slice %arg2[%multiple_of3A_120] : memref<8388608xf32, #tpu.memory_space<hbm>> -> memref<16384xf32, #tpu.memory_space<hbm>>
    %dma_start3A_126 = arith.constant 0 : i32
    %dma_start3A_127 = tpu.memref_slice %arg7[%dma_start3A_121, %dma_start3A_126] : memref<2x16384xf32, #tpu.memory_space<vmem>> -> memref<1x16384xf32, #tpu.memory_space<vmem>>
    %dma_start3A_128 = tpu.memref_squeeze %dma_start3A_127 : memref<1x16384xf32, #tpu.memory_space<vmem>> -> memref<16384xf32, #tpu.memory_space<vmem>>
    %dma_start3A_129 = tpu.memref_slice %arg2[%multiple_of3A_120] : memref<8388608xf32, #tpu.memory_space<hbm>> -> memref<16384xf32, #tpu.memory_space<hbm>>
    tpu.enqueue_dma source(%dma_start3A_129 : memref<16384xf32, #tpu.memory_space<hbm>>) target(%dma_start3A_128 : memref<16384xf32, #tpu.memory_space<vmem>>) target_semaphore(%arg13 : memref<!tpu.dma_semaphore, #tpu.memory_space<semaphore_mem>>)
    %dma_start3A_130 = arith.constant 1 : i32
    %dma_start3A_131 = arith.constant 0 : i32
    %dma_start3A_132 = tpu.memref_slice %arg8[%dma_start3A_130, %dma_start3A_131] : memref<2x16384xf32, #tpu.memory_space<vmem>> -> memref<1x16384xf32, #tpu.memory_space<vmem>>
    %dma_start3A_133 = tpu.memref_squeeze %dma_start3A_132 : memref<1x16384xf32, #tpu.memory_space<vmem>> -> memref<16384xf32, #tpu.memory_space<vmem>>
    %dma_start3A_134 = tpu.memref_slice %arg3[%multiple_of3A_120] : memref<8388608xf32, #tpu.memory_space<hbm>> -> memref<16384xf32, #tpu.memory_space<hbm>>
    %dma_start3A_135 = arith.constant 0 : i32
    %dma_start3A_136 = tpu.memref_slice %arg8[%dma_start3A_130, %dma_start3A_135] : memref<2x16384xf32, #tpu.memory_space<vmem>> -> memref<1x16384xf32, #tpu.memory_space<vmem>>
    %dma_start3A_137 = tpu.memref_squeeze %dma_start3A_136 : memref<1x16384xf32, #tpu.memory_space<vmem>> -> memref<16384xf32, #tpu.memory_space<vmem>>
    %dma_start3A_138 = tpu.memref_slice %arg3[%multiple_of3A_120] : memref<8388608xf32, #tpu.memory_space<hbm>> -> memref<16384xf32, #tpu.memory_space<hbm>>
    tpu.enqueue_dma source(%dma_start3A_138 : memref<16384xf32, #tpu.memory_space<hbm>>) target(%dma_start3A_137 : memref<16384xf32, #tpu.memory_space<vmem>>) target_semaphore(%arg15 : memref<!tpu.dma_semaphore, #tpu.memory_space<semaphore_mem>>)
    %dma_wait3A_139 = arith.constant 0 : i32
    %dma_wait3A_140 = arith.constant 0 : i32
    %dma_wait3A_141 = tpu.memref_slice %arg7[%dma_wait3A_139, %dma_wait3A_140] : memref<2x16384xf32, #tpu.memory_space<vmem>> -> memref<1x16384xf32, #tpu.memory_space<vmem>>
    %dma_wait3A_142 = tpu.memref_squeeze %dma_wait3A_141 : memref<1x16384xf32, #tpu.memory_space<vmem>> -> memref<16384xf32, #tpu.memory_space<vmem>>
    %dma_wait3A_143 = tpu.memref_slice %arg2[%multiple_of3A_77] : memref<8388608xf32, #tpu.memory_space<hbm>> -> memref<16384xf32, #tpu.memory_space<hbm>>
    %dma_wait3A_144 = arith.constant 0 : i32
    %dma_wait3A_145 = tpu.memref_slice %arg7[%dma_wait3A_139, %dma_wait3A_144] : memref<2x16384xf32, #tpu.memory_space<vmem>> -> memref<1x16384xf32, #tpu.memory_space<vmem>>
    %dma_wait3A_146 = tpu.memref_squeeze %dma_wait3A_145 : memref<1x16384xf32, #tpu.memory_space<vmem>> -> memref<16384xf32, #tpu.memory_space<vmem>>
    %dma_wait3A_147 = tpu.memref_slice %arg2[%multiple_of3A_77] : memref<8388608xf32, #tpu.memory_space<hbm>> -> memref<16384xf32, #tpu.memory_space<hbm>>
    tpu.wait_dma2 semaphore(%arg12 : memref<!tpu.dma_semaphore, #tpu.memory_space<semaphore_mem>>) src(%dma_wait3A_147 : memref<16384xf32, #tpu.memory_space<hbm>>) dst(%dma_wait3A_146 : memref<16384xf32, #tpu.memory_space<vmem>>)
    %dma_wait3A_148 = arith.constant 0 : i32
    %dma_wait3A_149 = arith.constant 0 : i32
    %dma_wait3A_150 = tpu.memref_slice %arg8[%dma_wait3A_148, %dma_wait3A_149] : memref<2x16384xf32, #tpu.memory_space<vmem>> -> memref<1x16384xf32, #tpu.memory_space<vmem>>
    %dma_wait3A_151 = tpu.memref_squeeze %dma_wait3A_150 : memref<1x16384xf32, #tpu.memory_space<vmem>> -> memref<16384xf32, #tpu.memory_space<vmem>>
    %dma_wait3A_152 = tpu.memref_slice %arg3[%multiple_of3A_77] : memref<8388608xf32, #tpu.memory_space<hbm>> -> memref<16384xf32, #tpu.memory_space<hbm>>
    %dma_wait3A_153 = arith.constant 0 : i32
    %dma_wait3A_154 = tpu.memref_slice %arg8[%dma_wait3A_148, %dma_wait3A_153] : memref<2x16384xf32, #tpu.memory_space<vmem>> -> memref<1x16384xf32, #tpu.memory_space<vmem>>
    %dma_wait3A_155 = tpu.memref_squeeze %dma_wait3A_154 : memref<1x16384xf32, #tpu.memory_space<vmem>> -> memref<16384xf32, #tpu.memory_space<vmem>>
    %dma_wait3A_156 = tpu.memref_slice %arg3[%multiple_of3A_77] : memref<8388608xf32, #tpu.memory_space<hbm>> -> memref<16384xf32, #tpu.memory_space<hbm>>
    tpu.wait_dma2 semaphore(%arg14 : memref<!tpu.dma_semaphore, #tpu.memory_space<semaphore_mem>>) src(%dma_wait3A_156 : memref<16384xf32, #tpu.memory_space<hbm>>) dst(%dma_wait3A_155 : memref<16384xf32, #tpu.memory_space<vmem>>)
    %parallel_loop3A_157 = arith.constant 0 : i32
    %parallel_loop3A_158 = arith.constant 1024 : i32
    %parallel_loop3A_159 = arith.constant 1 : i32
    %parallel_loop3A_160 = scf.for %parallel_loop3A_314 = %parallel_loop3A_157 to %parallel_loop3A_158 step %parallel_loop3A_159 iter_args(%parallel_loop3A_315 = %parallel_loop3A_117) -> (vector<16xf32>)  : i32 {
      %parallel_loop3A_316 = arith.constant 16 : i32
      %parallel_loop3A_317 = arith.muli %parallel_loop3A_314, %parallel_loop3A_316 : i32
      %parallel_loop3A_318 = tpu.assume_multiple %parallel_loop3A_317, 16 : i32
      %parallel_loop3A_319 = arith.constant 0 : i32
      %parallel_loop3A_320 = arith.index_cast %parallel_loop3A_319 : i32 to index
      %parallel_loop3A_321 = arith.index_cast %parallel_loop3A_318 : i32 to index
      %parallel_loop3A_322 = tpu.vector_load %arg7[%parallel_loop3A_320, %parallel_loop3A_321] {strides = array<i32>} : memref<2x16384xf32, #tpu.memory_space<vmem>>, vector<16xf32>,
      %parallel_loop3A_323 = arith.constant 0 : i32
      %parallel_loop3A_324 = arith.index_cast %parallel_loop3A_323 : i32 to index
      %parallel_loop3A_325 = arith.index_cast %parallel_loop3A_318 : i32 to index
      %parallel_loop3A_326 = tpu.vector_load %arg8[%parallel_loop3A_324, %parallel_loop3A_325] {strides = array<i32>} : memref<2x16384xf32, #tpu.memory_space<vmem>>, vector<16xf32>,
      %parallel_loop3A_327 = arith.subf %parallel_loop3A_322, %parallel_loop3A_326 : vector<16xf32>
      %parallel_loop3A_328 = arith.mulf %parallel_loop3A_327, %parallel_loop3A_327 : vector<16xf32>
      %parallel_loop3A_329 = arith.mulf %parallel_loop3A_326, %broadcast_in_dim3A_5 : vector<16xf32>
      %parallel_loop3A_330 = arith.addf %parallel_loop3A_329, %broadcast_in_dim3A_7 : vector<16xf32>
      %parallel_loop3A_331 = arith.fptosi %parallel_loop3A_330 : vector<16xf32> to vector<16xi32>
      %parallel_loop3A_332 = tpu.vector_load_idx %arg9[%parallel_loop3A_331] : memref<16xf32, #tpu.memory_space<vmem>>[vector<16xi32>], vector<16xf32>,
      %parallel_loop3A_333 = arith.cmpf ogt, %parallel_loop3A_326, %parallel_loop3A_332 : vector<16xf32>
      %parallel_loop3A_334 = arith.select %parallel_loop3A_333, %broadcast_in_dim3A_9, %broadcast_in_dim3A_11 : vector<16xi1>, vector<16xi32>
      %parallel_loop3A_335 = arith.addi %parallel_loop3A_331, %parallel_loop3A_334 : vector<16xi32>
      %parallel_loop3A_336 = tpu.vector_load_idx %arg10[%parallel_loop3A_335] : memref<16xf32, #tpu.memory_space<vmem>>[vector<16xi32>], vector<16xf32>,
      %parallel_loop3A_337 = arith.mulf %parallel_loop3A_328, %parallel_loop3A_336 : vector<16xf32>
      %parallel_loop3A_338 = arith.addf %parallel_loop3A_315, %parallel_loop3A_337 : vector<16xf32>
      scf.yield %parallel_loop3A_338 : vector<16xf32>
    } {sc.loop_unroll_factor = 4 : i64, sc.parallel_access}
    %add3A_161 = arith.constant 65536 : i32
    %add3A_162 = arith.addi %mul3A_2, %add3A_161 : i32
    %multiple_of3A_163 = tpu.assume_multiple %add3A_162, 8 : i32
    %dma_start3A_164 = arith.constant 0 : i32
    %dma_start3A_165 = arith.constant 0 : i32
    %dma_start3A_166 = tpu.memref_slice %arg7[%dma_start3A_164, %dma_start3A_165] : memref<2x16384xf32, #tpu.memory_space<vmem>> -> memref<1x16384xf32, #tpu.memory_space<vmem>>
    %dma_start3A_167 = tpu.memref_squeeze %dma_start3A_166 : memref<1x16384xf32, #tpu.memory_space<vmem>> -> memref<16384xf32, #tpu.memory_space<vmem>>
    %dma_start3A_168 = tpu.memref_slice %arg2[%multiple_of3A_163] : memref<8388608xf32, #tpu.memory_space<hbm>> -> memref<16384xf32, #tpu.memory_space<hbm>>
    %dma_start3A_169 = arith.constant 0 : i32
    %dma_start3A_170 = tpu.memref_slice %arg7[%dma_start3A_164, %dma_start3A_169] : memref<2x16384xf32, #tpu.memory_space<vmem>> -> memref<1x16384xf32, #tpu.memory_space<vmem>>
    %dma_start3A_171 = tpu.memref_squeeze %dma_start3A_170 : memref<1x16384xf32, #tpu.memory_space<vmem>> -> memref<16384xf32, #tpu.memory_space<vmem>>
    %dma_start3A_172 = tpu.memref_slice %arg2[%multiple_of3A_163] : memref<8388608xf32, #tpu.memory_space<hbm>> -> memref<16384xf32, #tpu.memory_space<hbm>>
    tpu.enqueue_dma source(%dma_start3A_172 : memref<16384xf32, #tpu.memory_space<hbm>>) target(%dma_start3A_171 : memref<16384xf32, #tpu.memory_space<vmem>>) target_semaphore(%arg12 : memref<!tpu.dma_semaphore, #tpu.memory_space<semaphore_mem>>)
    %dma_start3A_173 = arith.constant 0 : i32
    %dma_start3A_174 = arith.constant 0 : i32
    %dma_start3A_175 = tpu.memref_slice %arg8[%dma_start3A_173, %dma_start3A_174] : memref<2x16384xf32, #tpu.memory_space<vmem>> -> memref<1x16384xf32, #tpu.memory_space<vmem>>
    %dma_start3A_176 = tpu.memref_squeeze %dma_start3A_175 : memref<1x16384xf32, #tpu.memory_space<vmem>> -> memref<16384xf32, #tpu.memory_space<vmem>>
    %dma_start3A_177 = tpu.memref_slice %arg3[%multiple_of3A_163] : memref<8388608xf32, #tpu.memory_space<hbm>> -> memref<16384xf32, #tpu.memory_space<hbm>>
    %dma_start3A_178 = arith.constant 0 : i32
    %dma_start3A_179 = tpu.memref_slice %arg8[%dma_start3A_173, %dma_start3A_178] : memref<2x16384xf32, #tpu.memory_space<vmem>> -> memref<1x16384xf32, #tpu.memory_space<vmem>>
    %dma_start3A_180 = tpu.memref_squeeze %dma_start3A_179 : memref<1x16384xf32, #tpu.memory_space<vmem>> -> memref<16384xf32, #tpu.memory_space<vmem>>
    %dma_start3A_181 = tpu.memref_slice %arg3[%multiple_of3A_163] : memref<8388608xf32, #tpu.memory_space<hbm>> -> memref<16384xf32, #tpu.memory_space<hbm>>
    tpu.enqueue_dma source(%dma_start3A_181 : memref<16384xf32, #tpu.memory_space<hbm>>) target(%dma_start3A_180 : memref<16384xf32, #tpu.memory_space<vmem>>) target_semaphore(%arg14 : memref<!tpu.dma_semaphore, #tpu.memory_space<semaphore_mem>>)
    %dma_wait3A_182 = arith.constant 1 : i32
    %dma_wait3A_183 = arith.constant 0 : i32
    %dma_wait3A_184 = tpu.memref_slice %arg7[%dma_wait3A_182, %dma_wait3A_183] : memref<2x16384xf32, #tpu.memory_space<vmem>> -> memref<1x16384xf32, #tpu.memory_space<vmem>>
    %dma_wait3A_185 = tpu.memref_squeeze %dma_wait3A_184 : memref<1x16384xf32, #tpu.memory_space<vmem>> -> memref<16384xf32, #tpu.memory_space<vmem>>
    %dma_wait3A_186 = tpu.memref_slice %arg2[%multiple_of3A_120] : memref<8388608xf32, #tpu.memory_space<hbm>> -> memref<16384xf32, #tpu.memory_space<hbm>>
    %dma_wait3A_187 = arith.constant 0 : i32
    %dma_wait3A_188 = tpu.memref_slice %arg7[%dma_wait3A_182, %dma_wait3A_187] : memref<2x16384xf32, #tpu.memory_space<vmem>> -> memref<1x16384xf32, #tpu.memory_space<vmem>>
    %dma_wait3A_189 = tpu.memref_squeeze %dma_wait3A_188 : memref<1x16384xf32, #tpu.memory_space<vmem>> -> memref<16384xf32, #tpu.memory_space<vmem>>
    %dma_wait3A_190 = tpu.memref_slice %arg2[%multiple_of3A_120] : memref<8388608xf32, #tpu.memory_space<hbm>> -> memref<16384xf32, #tpu.memory_space<hbm>>
    tpu.wait_dma2 semaphore(%arg13 : memref<!tpu.dma_semaphore, #tpu.memory_space<semaphore_mem>>) src(%dma_wait3A_190 : memref<16384xf32, #tpu.memory_space<hbm>>) dst(%dma_wait3A_189 : memref<16384xf32, #tpu.memory_space<vmem>>)
    %dma_wait3A_191 = arith.constant 1 : i32
    %dma_wait3A_192 = arith.constant 0 : i32
    %dma_wait3A_193 = tpu.memref_slice %arg8[%dma_wait3A_191, %dma_wait3A_192] : memref<2x16384xf32, #tpu.memory_space<vmem>> -> memref<1x16384xf32, #tpu.memory_space<vmem>>
    %dma_wait3A_194 = tpu.memref_squeeze %dma_wait3A_193 : memref<1x16384xf32, #tpu.memory_space<vmem>> -> memref<16384xf32, #tpu.memory_space<vmem>>
    %dma_wait3A_195 = tpu.memref_slice %arg3[%multiple_of3A_120] : memref<8388608xf32, #tpu.memory_space<hbm>> -> memref<16384xf32, #tpu.memory_space<hbm>>
    %dma_wait3A_196 = arith.constant 0 : i32
    %dma_wait3A_197 = tpu.memref_slice %arg8[%dma_wait3A_191, %dma_wait3A_196] : memref<2x16384xf32, #tpu.memory_space<vmem>> -> memref<1x16384xf32, #tpu.memory_space<vmem>>
    %dma_wait3A_198 = tpu.memref_squeeze %dma_wait3A_197 : memref<1x16384xf32, #tpu.memory_space<vmem>> -> memref<16384xf32, #tpu.memory_space<vmem>>
    %dma_wait3A_199 = tpu.memref_slice %arg3[%multiple_of3A_120] : memref<8388608xf32, #tpu.memory_space<hbm>> -> memref<16384xf32, #tpu.memory_space<hbm>>
    tpu.wait_dma2 semaphore(%arg15 : memref<!tpu.dma_semaphore, #tpu.memory_space<semaphore_mem>>) src(%dma_wait3A_199 : memref<16384xf32, #tpu.memory_space<hbm>>) dst(%dma_wait3A_198 : memref<16384xf32, #tpu.memory_space<vmem>>)
    %parallel_loop3A_200 = arith.constant 0 : i32
    %parallel_loop3A_201 = arith.constant 1024 : i32
    %parallel_loop3A_202 = arith.constant 1 : i32
    %parallel_loop3A_203 = scf.for %parallel_loop3A_314 = %parallel_loop3A_200 to %parallel_loop3A_201 step %parallel_loop3A_202 iter_args(%parallel_loop3A_315 = %parallel_loop3A_160) -> (vector<16xf32>)  : i32 {
      %parallel_loop3A_316 = arith.constant 16 : i32
      %parallel_loop3A_317 = arith.muli %parallel_loop3A_314, %parallel_loop3A_316 : i32
      %parallel_loop3A_318 = tpu.assume_multiple %parallel_loop3A_317, 16 : i32
      %parallel_loop3A_319 = arith.constant 1 : i32
      %parallel_loop3A_320 = arith.index_cast %parallel_loop3A_319 : i32 to index
      %parallel_loop3A_321 = arith.index_cast %parallel_loop3A_318 : i32 to index
      %parallel_loop3A_322 = tpu.vector_load %arg7[%parallel_loop3A_320, %parallel_loop3A_321] {strides = array<i32>} : memref<2x16384xf32, #tpu.memory_space<vmem>>, vector<16xf32>,
      %parallel_loop3A_323 = arith.constant 1 : i32
      %parallel_loop3A_324 = arith.index_cast %parallel_loop3A_323 : i32 to index
      %parallel_loop3A_325 = arith.index_cast %parallel_loop3A_318 : i32 to index
      %parallel_loop3A_326 = tpu.vector_load %arg8[%parallel_loop3A_324, %parallel_loop3A_325] {strides = array<i32>} : memref<2x16384xf32, #tpu.memory_space<vmem>>, vector<16xf32>,
      %parallel_loop3A_327 = arith.subf %parallel_loop3A_322, %parallel_loop3A_326 : vector<16xf32>
      %parallel_loop3A_328 = arith.mulf %parallel_loop3A_327, %parallel_loop3A_327 : vector<16xf32>
      %parallel_loop3A_329 = arith.mulf %parallel_loop3A_326, %broadcast_in_dim3A_5 : vector<16xf32>
      %parallel_loop3A_330 = arith.addf %parallel_loop3A_329, %broadcast_in_dim3A_7 : vector<16xf32>
      %parallel_loop3A_331 = arith.fptosi %parallel_loop3A_330 : vector<16xf32> to vector<16xi32>
      %parallel_loop3A_332 = tpu.vector_load_idx %arg9[%parallel_loop3A_331] : memref<16xf32, #tpu.memory_space<vmem>>[vector<16xi32>], vector<16xf32>,
      %parallel_loop3A_333 = arith.cmpf ogt, %parallel_loop3A_326, %parallel_loop3A_332 : vector<16xf32>
      %parallel_loop3A_334 = arith.select %parallel_loop3A_333, %broadcast_in_dim3A_9, %broadcast_in_dim3A_11 : vector<16xi1>, vector<16xi32>
      %parallel_loop3A_335 = arith.addi %parallel_loop3A_331, %parallel_loop3A_334 : vector<16xi32>
      %parallel_loop3A_336 = tpu.vector_load_idx %arg10[%parallel_loop3A_335] : memref<16xf32, #tpu.memory_space<vmem>>[vector<16xi32>], vector<16xf32>,
      %parallel_loop3A_337 = arith.mulf %parallel_loop3A_328, %parallel_loop3A_336 : vector<16xf32>
      %parallel_loop3A_338 = arith.addf %parallel_loop3A_315, %parallel_loop3A_337 : vector<16xf32>
      scf.yield %parallel_loop3A_338 : vector<16xf32>
    } {sc.loop_unroll_factor = 4 : i64, sc.parallel_access}
    %add3A_204 = arith.constant 81920 : i32
    %add3A_205 = arith.addi %mul3A_2, %add3A_204 : i32
    %multiple_of3A_206 = tpu.assume_multiple %add3A_205, 8 : i32
    %dma_start3A_207 = arith.constant 1 : i32
    %dma_start3A_208 = arith.constant 0 : i32
    %dma_start3A_209 = tpu.memref_slice %arg7[%dma_start3A_207, %dma_start3A_208] : memref<2x16384xf32, #tpu.memory_space<vmem>> -> memref<1x16384xf32, #tpu.memory_space<vmem>>
    %dma_start3A_210 = tpu.memref_squeeze %dma_start3A_209 : memref<1x16384xf32, #tpu.memory_space<vmem>> -> memref<16384xf32, #tpu.memory_space<vmem>>
    %dma_start3A_211 = tpu.memref_slice %arg2[%multiple_of3A_206] : memref<8388608xf32, #tpu.memory_space<hbm>> -> memref<16384xf32, #tpu.memory_space<hbm>>
    %dma_start3A_212 = arith.constant 0 : i32
    %dma_start3A_213 = tpu.memref_slice %arg7[%dma_start3A_207, %dma_start3A_212] : memref<2x16384xf32, #tpu.memory_space<vmem>> -> memref<1x16384xf32, #tpu.memory_space<vmem>>
    %dma_start3A_214 = tpu.memref_squeeze %dma_start3A_213 : memref<1x16384xf32, #tpu.memory_space<vmem>> -> memref<16384xf32, #tpu.memory_space<vmem>>
    %dma_start3A_215 = tpu.memref_slice %arg2[%multiple_of3A_206] : memref<8388608xf32, #tpu.memory_space<hbm>> -> memref<16384xf32, #tpu.memory_space<hbm>>
    tpu.enqueue_dma source(%dma_start3A_215 : memref<16384xf32, #tpu.memory_space<hbm>>) target(%dma_start3A_214 : memref<16384xf32, #tpu.memory_space<vmem>>) target_semaphore(%arg13 : memref<!tpu.dma_semaphore, #tpu.memory_space<semaphore_mem>>)
    %dma_start3A_216 = arith.constant 1 : i32
    %dma_start3A_217 = arith.constant 0 : i32
    %dma_start3A_218 = tpu.memref_slice %arg8[%dma_start3A_216, %dma_start3A_217] : memref<2x16384xf32, #tpu.memory_space<vmem>> -> memref<1x16384xf32, #tpu.memory_space<vmem>>
    %dma_start3A_219 = tpu.memref_squeeze %dma_start3A_218 : memref<1x16384xf32, #tpu.memory_space<vmem>> -> memref<16384xf32, #tpu.memory_space<vmem>>
    %dma_start3A_220 = tpu.memref_slice %arg3[%multiple_of3A_206] : memref<8388608xf32, #tpu.memory_space<hbm>> -> memref<16384xf32, #tpu.memory_space<hbm>>
    %dma_start3A_221 = arith.constant 0 : i32
    %dma_start3A_222 = tpu.memref_slice %arg8[%dma_start3A_216, %dma_start3A_221] : memref<2x16384xf32, #tpu.memory_space<vmem>> -> memref<1x16384xf32, #tpu.memory_space<vmem>>
    %dma_start3A_223 = tpu.memref_squeeze %dma_start3A_222 : memref<1x16384xf32, #tpu.memory_space<vmem>> -> memref<16384xf32, #tpu.memory_space<vmem>>
    %dma_start3A_224 = tpu.memref_slice %arg3[%multiple_of3A_206] : memref<8388608xf32, #tpu.memory_space<hbm>> -> memref<16384xf32, #tpu.memory_space<hbm>>
    tpu.enqueue_dma source(%dma_start3A_224 : memref<16384xf32, #tpu.memory_space<hbm>>) target(%dma_start3A_223 : memref<16384xf32, #tpu.memory_space<vmem>>) target_semaphore(%arg15 : memref<!tpu.dma_semaphore, #tpu.memory_space<semaphore_mem>>)
    %dma_wait3A_225 = arith.constant 0 : i32
    %dma_wait3A_226 = arith.constant 0 : i32
    %dma_wait3A_227 = tpu.memref_slice %arg7[%dma_wait3A_225, %dma_wait3A_226] : memref<2x16384xf32, #tpu.memory_space<vmem>> -> memref<1x16384xf32, #tpu.memory_space<vmem>>
    %dma_wait3A_228 = tpu.memref_squeeze %dma_wait3A_227 : memref<1x16384xf32, #tpu.memory_space<vmem>> -> memref<16384xf32, #tpu.memory_space<vmem>>
    %dma_wait3A_229 = tpu.memref_slice %arg2[%multiple_of3A_163] : memref<8388608xf32, #tpu.memory_space<hbm>> -> memref<16384xf32, #tpu.memory_space<hbm>>
    %dma_wait3A_230 = arith.constant 0 : i32
    %dma_wait3A_231 = tpu.memref_slice %arg7[%dma_wait3A_225, %dma_wait3A_230] : memref<2x16384xf32, #tpu.memory_space<vmem>> -> memref<1x16384xf32, #tpu.memory_space<vmem>>
    %dma_wait3A_232 = tpu.memref_squeeze %dma_wait3A_231 : memref<1x16384xf32, #tpu.memory_space<vmem>> -> memref<16384xf32, #tpu.memory_space<vmem>>
    %dma_wait3A_233 = tpu.memref_slice %arg2[%multiple_of3A_163] : memref<8388608xf32, #tpu.memory_space<hbm>> -> memref<16384xf32, #tpu.memory_space<hbm>>
    tpu.wait_dma2 semaphore(%arg12 : memref<!tpu.dma_semaphore, #tpu.memory_space<semaphore_mem>>) src(%dma_wait3A_233 : memref<16384xf32, #tpu.memory_space<hbm>>) dst(%dma_wait3A_232 : memref<16384xf32, #tpu.memory_space<vmem>>)
    %dma_wait3A_234 = arith.constant 0 : i32
    %dma_wait3A_235 = arith.constant 0 : i32
    %dma_wait3A_236 = tpu.memref_slice %arg8[%dma_wait3A_234, %dma_wait3A_235] : memref<2x16384xf32, #tpu.memory_space<vmem>> -> memref<1x16384xf32, #tpu.memory_space<vmem>>
    %dma_wait3A_237 = tpu.memref_squeeze %dma_wait3A_236 : memref<1x16384xf32, #tpu.memory_space<vmem>> -> memref<16384xf32, #tpu.memory_space<vmem>>
    %dma_wait3A_238 = tpu.memref_slice %arg3[%multiple_of3A_163] : memref<8388608xf32, #tpu.memory_space<hbm>> -> memref<16384xf32, #tpu.memory_space<hbm>>
    %dma_wait3A_239 = arith.constant 0 : i32
    %dma_wait3A_240 = tpu.memref_slice %arg8[%dma_wait3A_234, %dma_wait3A_239] : memref<2x16384xf32, #tpu.memory_space<vmem>> -> memref<1x16384xf32, #tpu.memory_space<vmem>>
    %dma_wait3A_241 = tpu.memref_squeeze %dma_wait3A_240 : memref<1x16384xf32, #tpu.memory_space<vmem>> -> memref<16384xf32, #tpu.memory_space<vmem>>
    %dma_wait3A_242 = tpu.memref_slice %arg3[%multiple_of3A_163] : memref<8388608xf32, #tpu.memory_space<hbm>> -> memref<16384xf32, #tpu.memory_space<hbm>>
    tpu.wait_dma2 semaphore(%arg14 : memref<!tpu.dma_semaphore, #tpu.memory_space<semaphore_mem>>) src(%dma_wait3A_242 : memref<16384xf32, #tpu.memory_space<hbm>>) dst(%dma_wait3A_241 : memref<16384xf32, #tpu.memory_space<vmem>>)
    %parallel_loop3A_243 = arith.constant 0 : i32
    %parallel_loop3A_244 = arith.constant 1024 : i32
    %parallel_loop3A_245 = arith.constant 1 : i32
    %parallel_loop3A_246 = scf.for %parallel_loop3A_314 = %parallel_loop3A_243 to %parallel_loop3A_244 step %parallel_loop3A_245 iter_args(%parallel_loop3A_315 = %parallel_loop3A_203) -> (vector<16xf32>)  : i32 {
      %parallel_loop3A_316 = arith.constant 16 : i32
      %parallel_loop3A_317 = arith.muli %parallel_loop3A_314, %parallel_loop3A_316 : i32
      %parallel_loop3A_318 = tpu.assume_multiple %parallel_loop3A_317, 16 : i32
      %parallel_loop3A_319 = arith.constant 0 : i32
      %parallel_loop3A_320 = arith.index_cast %parallel_loop3A_319 : i32 to index
      %parallel_loop3A_321 = arith.index_cast %parallel_loop3A_318 : i32 to index
      %parallel_loop3A_322 = tpu.vector_load %arg7[%parallel_loop3A_320, %parallel_loop3A_321] {strides = array<i32>} : memref<2x16384xf32, #tpu.memory_space<vmem>>, vector<16xf32>,
      %parallel_loop3A_323 = arith.constant 0 : i32
      %parallel_loop3A_324 = arith.index_cast %parallel_loop3A_323 : i32 to index
      %parallel_loop3A_325 = arith.index_cast %parallel_loop3A_318 : i32 to index
      %parallel_loop3A_326 = tpu.vector_load %arg8[%parallel_loop3A_324, %parallel_loop3A_325] {strides = array<i32>} : memref<2x16384xf32, #tpu.memory_space<vmem>>, vector<16xf32>,
      %parallel_loop3A_327 = arith.subf %parallel_loop3A_322, %parallel_loop3A_326 : vector<16xf32>
      %parallel_loop3A_328 = arith.mulf %parallel_loop3A_327, %parallel_loop3A_327 : vector<16xf32>
      %parallel_loop3A_329 = arith.mulf %parallel_loop3A_326, %broadcast_in_dim3A_5 : vector<16xf32>
      %parallel_loop3A_330 = arith.addf %parallel_loop3A_329, %broadcast_in_dim3A_7 : vector<16xf32>
      %parallel_loop3A_331 = arith.fptosi %parallel_loop3A_330 : vector<16xf32> to vector<16xi32>
      %parallel_loop3A_332 = tpu.vector_load_idx %arg9[%parallel_loop3A_331] : memref<16xf32, #tpu.memory_space<vmem>>[vector<16xi32>], vector<16xf32>,
      %parallel_loop3A_333 = arith.cmpf ogt, %parallel_loop3A_326, %parallel_loop3A_332 : vector<16xf32>
      %parallel_loop3A_334 = arith.select %parallel_loop3A_333, %broadcast_in_dim3A_9, %broadcast_in_dim3A_11 : vector<16xi1>, vector<16xi32>
      %parallel_loop3A_335 = arith.addi %parallel_loop3A_331, %parallel_loop3A_334 : vector<16xi32>
      %parallel_loop3A_336 = tpu.vector_load_idx %arg10[%parallel_loop3A_335] : memref<16xf32, #tpu.memory_space<vmem>>[vector<16xi32>], vector<16xf32>,
      %parallel_loop3A_337 = arith.mulf %parallel_loop3A_328, %parallel_loop3A_336 : vector<16xf32>
      %parallel_loop3A_338 = arith.addf %parallel_loop3A_315, %parallel_loop3A_337 : vector<16xf32>
      scf.yield %parallel_loop3A_338 : vector<16xf32>
    } {sc.loop_unroll_factor = 4 : i64, sc.parallel_access}
    %add3A_247 = arith.constant 98304 : i32
    %add3A_248 = arith.addi %mul3A_2, %add3A_247 : i32
    %multiple_of3A_249 = tpu.assume_multiple %add3A_248, 8 : i32
    %dma_start3A_250 = arith.constant 0 : i32
    %dma_start3A_251 = arith.constant 0 : i32
    %dma_start3A_252 = tpu.memref_slice %arg7[%dma_start3A_250, %dma_start3A_251] : memref<2x16384xf32, #tpu.memory_space<vmem>> -> memref<1x16384xf32, #tpu.memory_space<vmem>>
    %dma_start3A_253 = tpu.memref_squeeze %dma_start3A_252 : memref<1x16384xf32, #tpu.memory_space<vmem>> -> memref<16384xf32, #tpu.memory_space<vmem>>
    %dma_start3A_254 = tpu.memref_slice %arg2[%multiple_of3A_249] : memref<8388608xf32, #tpu.memory_space<hbm>> -> memref<16384xf32, #tpu.memory_space<hbm>>
    %dma_start3A_255 = arith.constant 0 : i32
    %dma_start3A_256 = tpu.memref_slice %arg7[%dma_start3A_250, %dma_start3A_255] : memref<2x16384xf32, #tpu.memory_space<vmem>> -> memref<1x16384xf32, #tpu.memory_space<vmem>>
    %dma_start3A_257 = tpu.memref_squeeze %dma_start3A_256 : memref<1x16384xf32, #tpu.memory_space<vmem>> -> memref<16384xf32, #tpu.memory_space<vmem>>
    %dma_start3A_258 = tpu.memref_slice %arg2[%multiple_of3A_249] : memref<8388608xf32, #tpu.memory_space<hbm>> -> memref<16384xf32, #tpu.memory_space<hbm>>
    tpu.enqueue_dma source(%dma_start3A_258 : memref<16384xf32, #tpu.memory_space<hbm>>) target(%dma_start3A_257 : memref<16384xf32, #tpu.memory_space<vmem>>) target_semaphore(%arg12 : memref<!tpu.dma_semaphore, #tpu.memory_space<semaphore_mem>>)
    %dma_start3A_259 = arith.constant 0 : i32
    %dma_start3A_260 = arith.constant 0 : i32
    %dma_start3A_261 = tpu.memref_slice %arg8[%dma_start3A_259, %dma_start3A_260] : memref<2x16384xf32, #tpu.memory_space<vmem>> -> memref<1x16384xf32, #tpu.memory_space<vmem>>
    %dma_start3A_262 = tpu.memref_squeeze %dma_start3A_261 : memref<1x16384xf32, #tpu.memory_space<vmem>> -> memref<16384xf32, #tpu.memory_space<vmem>>
    %dma_start3A_263 = tpu.memref_slice %arg3[%multiple_of3A_249] : memref<8388608xf32, #tpu.memory_space<hbm>> -> memref<16384xf32, #tpu.memory_space<hbm>>
    %dma_start3A_264 = arith.constant 0 : i32
    %dma_start3A_265 = tpu.memref_slice %arg8[%dma_start3A_259, %dma_start3A_264] : memref<2x16384xf32, #tpu.memory_space<vmem>> -> memref<1x16384xf32, #tpu.memory_space<vmem>>
    %dma_start3A_266 = tpu.memref_squeeze %dma_start3A_265 : memref<1x16384xf32, #tpu.memory_space<vmem>> -> memref<16384xf32, #tpu.memory_space<vmem>>
    %dma_start3A_267 = tpu.memref_slice %arg3[%multiple_of3A_249] : memref<8388608xf32, #tpu.memory_space<hbm>> -> memref<16384xf32, #tpu.memory_space<hbm>>
    tpu.enqueue_dma source(%dma_start3A_267 : memref<16384xf32, #tpu.memory_space<hbm>>) target(%dma_start3A_266 : memref<16384xf32, #tpu.memory_space<vmem>>) target_semaphore(%arg14 : memref<!tpu.dma_semaphore, #tpu.memory_space<semaphore_mem>>)
    %dma_wait3A_268 = arith.constant 1 : i32
    %dma_wait3A_269 = arith.constant 0 : i32
    %dma_wait3A_270 = tpu.memref_slice %arg7[%dma_wait3A_268, %dma_wait3A_269] : memref<2x16384xf32, #tpu.memory_space<vmem>> -> memref<1x16384xf32, #tpu.memory_space<vmem>>
    %dma_wait3A_271 = tpu.memref_squeeze %dma_wait3A_270 : memref<1x16384xf32, #tpu.memory_space<vmem>> -> memref<16384xf32, #tpu.memory_space<vmem>>
    %dma_wait3A_272 = tpu.memref_slice %arg2[%multiple_of3A_206] : memref<8388608xf32, #tpu.memory_space<hbm>> -> memref<16384xf32, #tpu.memory_space<hbm>>
    %dma_wait3A_273 = arith.constant 0 : i32
    %dma_wait3A_274 = tpu.memref_slice %arg7[%dma_wait3A_268, %dma_wait3A_273] : memref<2x16384xf32, #tpu.memory_space<vmem>> -> memref<1x16384xf32, #tpu.memory_space<vmem>>
    %dma_wait3A_275 = tpu.memref_squeeze %dma_wait3A_274 : memref<1x16384xf32, #tpu.memory_space<vmem>> -> memref<16384xf32, #tpu.memory_space<vmem>>
    %dma_wait3A_276 = tpu.memref_slice %arg2[%multiple_of3A_206] : memref<8388608xf32, #tpu.memory_space<hbm>> -> memref<16384xf32, #tpu.memory_space<hbm>>
    tpu.wait_dma2 semaphore(%arg13 : memref<!tpu.dma_semaphore, #tpu.memory_space<semaphore_mem>>) src(%dma_wait3A_276 : memref<16384xf32, #tpu.memory_space<hbm>>) dst(%dma_wait3A_275 : memref<16384xf32, #tpu.memory_space<vmem>>)
    %dma_wait3A_277 = arith.constant 1 : i32
    %dma_wait3A_278 = arith.constant 0 : i32
    %dma_wait3A_279 = tpu.memref_slice %arg8[%dma_wait3A_277, %dma_wait3A_278] : memref<2x16384xf32, #tpu.memory_space<vmem>> -> memref<1x16384xf32, #tpu.memory_space<vmem>>
    %dma_wait3A_280 = tpu.memref_squeeze %dma_wait3A_279 : memref<1x16384xf32, #tpu.memory_space<vmem>> -> memref<16384xf32, #tpu.memory_space<vmem>>
    %dma_wait3A_281 = tpu.memref_slice %arg3[%multiple_of3A_206] : memref<8388608xf32, #tpu.memory_space<hbm>> -> memref<16384xf32, #tpu.memory_space<hbm>>
    %dma_wait3A_282 = arith.constant 0 : i32
    %dma_wait3A_283 = tpu.memref_slice %arg8[%dma_wait3A_277, %dma_wait3A_282] : memref<2x16384xf32, #tpu.memory_space<vmem>> -> memref<1x16384xf32, #tpu.memory_space<vmem>>
    %dma_wait3A_284 = tpu.memref_squeeze %dma_wait3A_283 : memref<1x16384xf32, #tpu.memory_space<vmem>> -> memref<16384xf32, #tpu.memory_space<vmem>>
    %dma_wait3A_285 = tpu.memref_slice %arg3[%multiple_of3A_206] : memref<8388608xf32, #tpu.memory_space<hbm>> -> memref<16384xf32, #tpu.memory_space<hbm>>
    tpu.wait_dma2 semaphore(%arg15 : memref<!tpu.dma_semaphore, #tpu.memory_space<semaphore_mem>>) src(%dma_wait3A_285 : memref<16384xf32, #tpu.memory_space<hbm>>) dst(%dma_wait3A_284 : memref<16384xf32, #tpu.memory_space<vmem>>)
    %parallel_loop3A_286 = arith.constant 0 : i32
    %parallel_loop3A_287 = arith.constant 1024 : i32
    %parallel_loop3A_288 = arith.constant 1 : i32
    %parallel_loop3A_289 = scf.for %parallel_loop3A_314 = %parallel_loop3A_286 to %parallel_loop3A_287 step %parallel_loop3A_288 iter_args(%parallel_loop3A_315 = %parallel_loop3A_246) -> (vector<16xf32>)  : i32 {
      %parallel_loop3A_316 = arith.constant 16 : i32
      %parallel_loop3A_317 = arith.muli %parallel_loop3A_314, %parallel_loop3A_316 : i32
      %parallel_loop3A_318 = tpu.assume_multiple %parallel_loop3A_317, 16 : i32
      %parallel_loop3A_319 = arith.constant 1 : i32
      %parallel_loop3A_320 = arith.index_cast %parallel_loop3A_319 : i32 to index
      %parallel_loop3A_321 = arith.index_cast %parallel_loop3A_318 : i32 to index
      %parallel_loop3A_322 = tpu.vector_load %arg7[%parallel_loop3A_320, %parallel_loop3A_321] {strides = array<i32>} : memref<2x16384xf32, #tpu.memory_space<vmem>>, vector<16xf32>,
      %parallel_loop3A_323 = arith.constant 1 : i32
      %parallel_loop3A_324 = arith.index_cast %parallel_loop3A_323 : i32 to index
      %parallel_loop3A_325 = arith.index_cast %parallel_loop3A_318 : i32 to index
      %parallel_loop3A_326 = tpu.vector_load %arg8[%parallel_loop3A_324, %parallel_loop3A_325] {strides = array<i32>} : memref<2x16384xf32, #tpu.memory_space<vmem>>, vector<16xf32>,
      %parallel_loop3A_327 = arith.subf %parallel_loop3A_322, %parallel_loop3A_326 : vector<16xf32>
      %parallel_loop3A_328 = arith.mulf %parallel_loop3A_327, %parallel_loop3A_327 : vector<16xf32>
      %parallel_loop3A_329 = arith.mulf %parallel_loop3A_326, %broadcast_in_dim3A_5 : vector<16xf32>
      %parallel_loop3A_330 = arith.addf %parallel_loop3A_329, %broadcast_in_dim3A_7 : vector<16xf32>
      %parallel_loop3A_331 = arith.fptosi %parallel_loop3A_330 : vector<16xf32> to vector<16xi32>
      %parallel_loop3A_332 = tpu.vector_load_idx %arg9[%parallel_loop3A_331] : memref<16xf32, #tpu.memory_space<vmem>>[vector<16xi32>], vector<16xf32>,
      %parallel_loop3A_333 = arith.cmpf ogt, %parallel_loop3A_326, %parallel_loop3A_332 : vector<16xf32>
      %parallel_loop3A_334 = arith.select %parallel_loop3A_333, %broadcast_in_dim3A_9, %broadcast_in_dim3A_11 : vector<16xi1>, vector<16xi32>
      %parallel_loop3A_335 = arith.addi %parallel_loop3A_331, %parallel_loop3A_334 : vector<16xi32>
      %parallel_loop3A_336 = tpu.vector_load_idx %arg10[%parallel_loop3A_335] : memref<16xf32, #tpu.memory_space<vmem>>[vector<16xi32>], vector<16xf32>,
      %parallel_loop3A_337 = arith.mulf %parallel_loop3A_328, %parallel_loop3A_336 : vector<16xf32>
      %parallel_loop3A_338 = arith.addf %parallel_loop3A_315, %parallel_loop3A_337 : vector<16xf32>
      scf.yield %parallel_loop3A_338 : vector<16xf32>
    } {sc.loop_unroll_factor = 4 : i64, sc.parallel_access}
    %dma_wait3A_290 = arith.constant 0 : i32
    %dma_wait3A_291 = arith.constant 0 : i32
    %dma_wait3A_292 = tpu.memref_slice %arg7[%dma_wait3A_290, %dma_wait3A_291] : memref<2x16384xf32, #tpu.memory_space<vmem>> -> memref<1x16384xf32, #tpu.memory_space<vmem>>
    %dma_wait3A_293 = tpu.memref_squeeze %dma_wait3A_292 : memref<1x16384xf32, #tpu.memory_space<vmem>> -> memref<16384xf32, #tpu.memory_space<vmem>>
    %dma_wait3A_294 = tpu.memref_slice %arg2[%multiple_of3A_249] : memref<8388608xf32, #tpu.memory_space<hbm>> -> memref<16384xf32, #tpu.memory_space<hbm>>
    %dma_wait3A_295 = arith.constant 0 : i32
    %dma_wait3A_296 = tpu.memref_slice %arg7[%dma_wait3A_290, %dma_wait3A_295] : memref<2x16384xf32, #tpu.memory_space<vmem>> -> memref<1x16384xf32, #tpu.memory_space<vmem>>
    %dma_wait3A_297 = tpu.memref_squeeze %dma_wait3A_296 : memref<1x16384xf32, #tpu.memory_space<vmem>> -> memref<16384xf32, #tpu.memory_space<vmem>>
    %dma_wait3A_298 = tpu.memref_slice %arg2[%multiple_of3A_249] : memref<8388608xf32, #tpu.memory_space<hbm>> -> memref<16384xf32, #tpu.memory_space<hbm>>
    tpu.wait_dma2 semaphore(%arg12 : memref<!tpu.dma_semaphore, #tpu.memory_space<semaphore_mem>>) src(%dma_wait3A_298 : memref<16384xf32, #tpu.memory_space<hbm>>) dst(%dma_wait3A_297 : memref<16384xf32, #tpu.memory_space<vmem>>)
    %dma_wait3A_299 = arith.constant 0 : i32
    %dma_wait3A_300 = arith.constant 0 : i32
    %dma_wait3A_301 = tpu.memref_slice %arg8[%dma_wait3A_299, %dma_wait3A_300] : memref<2x16384xf32, #tpu.memory_space<vmem>> -> memref<1x16384xf32, #tpu.memory_space<vmem>>
    %dma_wait3A_302 = tpu.memref_squeeze %dma_wait3A_301 : memref<1x16384xf32, #tpu.memory_space<vmem>> -> memref<16384xf32, #tpu.memory_space<vmem>>
    %dma_wait3A_303 = tpu.memref_slice %arg3[%multiple_of3A_249] : memref<8388608xf32, #tpu.memory_space<hbm>> -> memref<16384xf32, #tpu.memory_space<hbm>>
    %dma_wait3A_304 = arith.constant 0 : i32
    %dma_wait3A_305 = tpu.memref_slice %arg8[%dma_wait3A_299, %dma_wait3A_304] : memref<2x16384xf32, #tpu.memory_space<vmem>> -> memref<1x16384xf32, #tpu.memory_space<vmem>>
    %dma_wait3A_306 = tpu.memref_squeeze %dma_wait3A_305 : memref<1x16384xf32, #tpu.memory_space<vmem>> -> memref<16384xf32, #tpu.memory_space<vmem>>
    %dma_wait3A_307 = tpu.memref_slice %arg3[%multiple_of3A_249] : memref<8388608xf32, #tpu.memory_space<hbm>> -> memref<16384xf32, #tpu.memory_space<hbm>>
    tpu.wait_dma2 semaphore(%arg14 : memref<!tpu.dma_semaphore, #tpu.memory_space<semaphore_mem>>) src(%dma_wait3A_307 : memref<16384xf32, #tpu.memory_space<hbm>>) dst(%dma_wait3A_306 : memref<16384xf32, #tpu.memory_space<vmem>>)
    %parallel_loop3A_308 = arith.constant 0 : i32
    %parallel_loop3A_309 = arith.constant 1024 : i32
    %parallel_loop3A_310 = arith.constant 1 : i32
    %parallel_loop3A_311 = scf.for %parallel_loop3A_314 = %parallel_loop3A_308 to %parallel_loop3A_309 step %parallel_loop3A_310 iter_args(%parallel_loop3A_315 = %parallel_loop3A_289) -> (vector<16xf32>)  : i32 {
      %parallel_loop3A_316 = arith.constant 16 : i32
      %parallel_loop3A_317 = arith.muli %parallel_loop3A_314, %parallel_loop3A_316 : i32
      %parallel_loop3A_318 = tpu.assume_multiple %parallel_loop3A_317, 16 : i32
      %parallel_loop3A_319 = arith.constant 0 : i32
      %parallel_loop3A_320 = arith.index_cast %parallel_loop3A_319 : i32 to index
      %parallel_loop3A_321 = arith.index_cast %parallel_loop3A_318 : i32 to index
      %parallel_loop3A_322 = tpu.vector_load %arg7[%parallel_loop3A_320, %parallel_loop3A_321] {strides = array<i32>} : memref<2x16384xf32, #tpu.memory_space<vmem>>, vector<16xf32>,
      %parallel_loop3A_323 = arith.constant 0 : i32
      %parallel_loop3A_324 = arith.index_cast %parallel_loop3A_323 : i32 to index
      %parallel_loop3A_325 = arith.index_cast %parallel_loop3A_318 : i32 to index
      %parallel_loop3A_326 = tpu.vector_load %arg8[%parallel_loop3A_324, %parallel_loop3A_325] {strides = array<i32>} : memref<2x16384xf32, #tpu.memory_space<vmem>>, vector<16xf32>,
      %parallel_loop3A_327 = arith.subf %parallel_loop3A_322, %parallel_loop3A_326 : vector<16xf32>
      %parallel_loop3A_328 = arith.mulf %parallel_loop3A_327, %parallel_loop3A_327 : vector<16xf32>
      %parallel_loop3A_329 = arith.mulf %parallel_loop3A_326, %broadcast_in_dim3A_5 : vector<16xf32>
      %parallel_loop3A_330 = arith.addf %parallel_loop3A_329, %broadcast_in_dim3A_7 : vector<16xf32>
      %parallel_loop3A_331 = arith.fptosi %parallel_loop3A_330 : vector<16xf32> to vector<16xi32>
      %parallel_loop3A_332 = tpu.vector_load_idx %arg9[%parallel_loop3A_331] : memref<16xf32, #tpu.memory_space<vmem>>[vector<16xi32>], vector<16xf32>,
      %parallel_loop3A_333 = arith.cmpf ogt, %parallel_loop3A_326, %parallel_loop3A_332 : vector<16xf32>
      %parallel_loop3A_334 = arith.select %parallel_loop3A_333, %broadcast_in_dim3A_9, %broadcast_in_dim3A_11 : vector<16xi1>, vector<16xi32>
      %parallel_loop3A_335 = arith.addi %parallel_loop3A_331, %parallel_loop3A_334 : vector<16xi32>
      %parallel_loop3A_336 = tpu.vector_load_idx %arg10[%parallel_loop3A_335] : memref<16xf32, #tpu.memory_space<vmem>>[vector<16xi32>], vector<16xf32>,
      %parallel_loop3A_337 = arith.mulf %parallel_loop3A_328, %parallel_loop3A_336 : vector<16xf32>
      %parallel_loop3A_338 = arith.addf %parallel_loop3A_315, %parallel_loop3A_337 : vector<16xf32>
      scf.yield %parallel_loop3A_338 : vector<16xf32>
    } {sc.loop_unroll_factor = 4 : i64, sc.parallel_access}
    %swap3A_312 = arith.constant 0 : index
    %swap3A_313 = tpu.vector_load %arg11[%swap3A_312] {strides = array<i32>} : memref<16xf32, #tpu.memory_space<vmem>>, vector<16xf32>,
    tpu.vector_store %arg11[%swap3A_312], %parallel_loop3A_311 {strides = array<i32>} : memref<16xf32, #tpu.memory_space<vmem>>, vector<16xf32>,
    "tpu.region"() ({
      %run_scoped3A = tpu.sem_alloc : memref<!tpu.dma_semaphore, #tpu.memory_space<semaphore_mem>>
      %dma_start3A_314 = arith.constant 0 : i32
      %dma_start3A_315 = tpu.memref_slice %arg6[%add3A, %dma_start3A_314] : memref<32x16xf32, #tpu.memory_space<hbm>> -> memref<1x16xf32, #tpu.memory_space<hbm>>
      %dma_start3A_316 = tpu.memref_squeeze %dma_start3A_315 : memref<1x16xf32, #tpu.memory_space<hbm>> -> memref<16xf32, #tpu.memory_space<hbm>>
      %dma_start3A_317 = arith.constant 0 : i32
      %dma_start3A_318 = tpu.memref_slice %arg6[%add3A, %dma_start3A_317] : memref<32x16xf32, #tpu.memory_space<hbm>> -> memref<1x16xf32, #tpu.memory_space<hbm>>
      %dma_start3A_319 = tpu.memref_squeeze %dma_start3A_318 : memref<1x16xf32, #tpu.memory_space<hbm>> -> memref<16xf32, #tpu.memory_space<hbm>>
      tpu.enqueue_dma source(%arg11 : memref<16xf32, #tpu.memory_space<vmem>>) target(%dma_start3A_319 : memref<16xf32, #tpu.memory_space<hbm>>) target_semaphore(%run_scoped3A : memref<!tpu.dma_semaphore, #tpu.memory_space<semaphore_mem>>)
      %dma_wait3A_320 = arith.constant 0 : i32
      %dma_wait3A_321 = tpu.memref_slice %arg6[%add3A, %dma_wait3A_320] : memref<32x16xf32, #tpu.memory_space<hbm>> -> memref<1x16xf32, #tpu.memory_space<hbm>>
      %dma_wait3A_322 = tpu.memref_squeeze %dma_wait3A_321 : memref<1x16xf32, #tpu.memory_space<hbm>> -> memref<16xf32, #tpu.memory_space<hbm>>
      %dma_wait3A_323 = arith.constant 0 : i32
      %dma_wait3A_324 = tpu.memref_slice %arg6[%add3A, %dma_wait3A_323] : memref<32x16xf32, #tpu.memory_space<hbm>> -> memref<1x16xf32, #tpu.memory_space<hbm>>
      %dma_wait3A_325 = tpu.memref_squeeze %dma_wait3A_324 : memref<1x16xf32, #tpu.memory_space<hbm>> -> memref<16xf32, #tpu.memory_space<hbm>>
      tpu.wait_dma2 semaphore(%run_scoped3A : memref<!tpu.dma_semaphore, #tpu.memory_space<semaphore_mem>>) src(%arg11 : memref<16xf32, #tpu.memory_space<vmem>>) dst(%dma_wait3A_325 : memref<16xf32, #tpu.memory_space<hbm>>)
      tpu.yield
    }) : () -> ()
    return
  }
}

module attributes {stable_mosaic.version = 14 : i64} {
  func.func @body(%arg0: i32, %arg1: memref<11xf32, #tpu.memory_space<smem>>, %arg2: memref<10xf32, #tpu.memory_space<smem>>, %arg3: memref<4096x128xf32, #tpu.memory_space<vmem>>, %arg4: memref<4096x128xf32, #tpu.memory_space<vmem>>, %arg5: memref<1x1xf32, #tpu.memory_space<smem>>) attributes {dimension_semantics = [#tpu.dimension_semantics<arbitrary>], iteration_bounds = array<i64: 9>, scalar_prefetch = 0 : i64, scratch_operands = 0 : i64, tpu.core_type = #tpu.core_type<tc>, window_params = [{transform_indices = @transform_0, window_bounds = array<i64: 11>}, {transform_indices = @transform_1, window_bounds = array<i64: 10>}, {transform_indices = @transform_2, window_bounds = array<i64: 4096, 128>}, {transform_indices = @transform_3, window_bounds = array<i64: 4096, 128>}, {transform_indices = @transform_4, window_bounds = array<i64: 1, 1>}]} {
    %get3A = arith.constant 0 : index
    %get3A_0 = arith.constant 0 : index
    %get3A_1 = vector.load %arg3[%get3A, %get3A_0] : memref<4096x128xf32, #tpu.memory_space<vmem>>, vector<4096x128xf32>
    %get3A_2 = arith.constant 0 : index
    %get3A_3 = arith.constant 0 : index
    %get3A_4 = vector.load %arg4[%get3A_2, %get3A_3] : memref<4096x128xf32, #tpu.memory_space<vmem>>, vector<4096x128xf32>
    %sub3A = arith.subf %get3A_1, %get3A_4 : vector<4096x128xf32>
    %sub3A_5 = arith.subf %get3A_1, %get3A_4 : vector<4096x128xf32>
    %mul3A = arith.mulf %sub3A, %sub3A_5 : vector<4096x128xf32>
    %get3A_6 = arith.constant 0 : index
    %get3A_7 = memref.load %arg2[%get3A_6] : memref<10xf32, #tpu.memory_space<smem>>
    %broadcast_in_dim3A = vector.broadcast %get3A_7 : f32 to vector<4096x128xf32>
    %get3A_8 = arith.constant 1 : index
    %get3A_9 = memref.load %arg1[%get3A_8] : memref<11xf32, #tpu.memory_space<smem>>
    %gt3A = vector.broadcast %get3A_9 : f32 to vector<4096x128xf32>
    %gt3A_10 = arith.cmpf ogt, %get3A_4, %gt3A : vector<4096x128xf32>
    %get3A_11 = arith.constant 1 : index
    %get3A_12 = memref.load %arg2[%get3A_11] : memref<10xf32, #tpu.memory_space<smem>>
    %get3A_13 = arith.constant 0 : index
    %get3A_14 = memref.load %arg2[%get3A_13] : memref<10xf32, #tpu.memory_space<smem>>
    %sub3A_15 = arith.subf %get3A_12, %get3A_14 : f32
    %jit3A = arith.constant 0.000000e+00 : f32
    %broadcast_in_dim3A_16 = vector.broadcast %sub3A_15 : f32 to vector<4096x128xf32>
    %broadcast_in_dim3A_17 = vector.broadcast %jit3A : f32 to vector<4096x128xf32>
    %select_n3A = arith.select %gt3A_10, %broadcast_in_dim3A_16, %broadcast_in_dim3A_17 : vector<4096x128xi1>, vector<4096x128xf32>
    %add3A = arith.addf %broadcast_in_dim3A, %select_n3A : vector<4096x128xf32>
    %get3A_18 = arith.constant 2 : index
    %get3A_19 = memref.load %arg1[%get3A_18] : memref<11xf32, #tpu.memory_space<smem>>
    %gt3A_20 = vector.broadcast %get3A_19 : f32 to vector<4096x128xf32>
    %gt3A_21 = arith.cmpf ogt, %get3A_4, %gt3A_20 : vector<4096x128xf32>
    %get3A_22 = arith.constant 2 : index
    %get3A_23 = memref.load %arg2[%get3A_22] : memref<10xf32, #tpu.memory_space<smem>>
    %get3A_24 = arith.constant 1 : index
    %get3A_25 = memref.load %arg2[%get3A_24] : memref<10xf32, #tpu.memory_space<smem>>
    %sub3A_26 = arith.subf %get3A_23, %get3A_25 : f32
    %jit3A_27 = arith.constant 0.000000e+00 : f32
    %broadcast_in_dim3A_28 = vector.broadcast %sub3A_26 : f32 to vector<4096x128xf32>
    %broadcast_in_dim3A_29 = vector.broadcast %jit3A_27 : f32 to vector<4096x128xf32>
    %select_n3A_30 = arith.select %gt3A_21, %broadcast_in_dim3A_28, %broadcast_in_dim3A_29 : vector<4096x128xi1>, vector<4096x128xf32>
    %add3A_31 = arith.addf %add3A, %select_n3A_30 : vector<4096x128xf32>
    %get3A_32 = arith.constant 3 : index
    %get3A_33 = memref.load %arg1[%get3A_32] : memref<11xf32, #tpu.memory_space<smem>>
    %gt3A_34 = vector.broadcast %get3A_33 : f32 to vector<4096x128xf32>
    %gt3A_35 = arith.cmpf ogt, %get3A_4, %gt3A_34 : vector<4096x128xf32>
    %get3A_36 = arith.constant 3 : index
    %get3A_37 = memref.load %arg2[%get3A_36] : memref<10xf32, #tpu.memory_space<smem>>
    %get3A_38 = arith.constant 2 : index
    %get3A_39 = memref.load %arg2[%get3A_38] : memref<10xf32, #tpu.memory_space<smem>>
    %sub3A_40 = arith.subf %get3A_37, %get3A_39 : f32
    %jit3A_41 = arith.constant 0.000000e+00 : f32
    %broadcast_in_dim3A_42 = vector.broadcast %sub3A_40 : f32 to vector<4096x128xf32>
    %broadcast_in_dim3A_43 = vector.broadcast %jit3A_41 : f32 to vector<4096x128xf32>
    %select_n3A_44 = arith.select %gt3A_35, %broadcast_in_dim3A_42, %broadcast_in_dim3A_43 : vector<4096x128xi1>, vector<4096x128xf32>
    %add3A_45 = arith.addf %add3A_31, %select_n3A_44 : vector<4096x128xf32>
    %get3A_46 = arith.constant 4 : index
    %get3A_47 = memref.load %arg1[%get3A_46] : memref<11xf32, #tpu.memory_space<smem>>
    %gt3A_48 = vector.broadcast %get3A_47 : f32 to vector<4096x128xf32>
    %gt3A_49 = arith.cmpf ogt, %get3A_4, %gt3A_48 : vector<4096x128xf32>
    %get3A_50 = arith.constant 4 : index
    %get3A_51 = memref.load %arg2[%get3A_50] : memref<10xf32, #tpu.memory_space<smem>>
    %get3A_52 = arith.constant 3 : index
    %get3A_53 = memref.load %arg2[%get3A_52] : memref<10xf32, #tpu.memory_space<smem>>
    %sub3A_54 = arith.subf %get3A_51, %get3A_53 : f32
    %jit3A_55 = arith.constant 0.000000e+00 : f32
    %broadcast_in_dim3A_56 = vector.broadcast %sub3A_54 : f32 to vector<4096x128xf32>
    %broadcast_in_dim3A_57 = vector.broadcast %jit3A_55 : f32 to vector<4096x128xf32>
    %select_n3A_58 = arith.select %gt3A_49, %broadcast_in_dim3A_56, %broadcast_in_dim3A_57 : vector<4096x128xi1>, vector<4096x128xf32>
    %add3A_59 = arith.addf %add3A_45, %select_n3A_58 : vector<4096x128xf32>
    %get3A_60 = arith.constant 5 : index
    %get3A_61 = memref.load %arg1[%get3A_60] : memref<11xf32, #tpu.memory_space<smem>>
    %gt3A_62 = vector.broadcast %get3A_61 : f32 to vector<4096x128xf32>
    %gt3A_63 = arith.cmpf ogt, %get3A_4, %gt3A_62 : vector<4096x128xf32>
    %get3A_64 = arith.constant 5 : index
    %get3A_65 = memref.load %arg2[%get3A_64] : memref<10xf32, #tpu.memory_space<smem>>
    %get3A_66 = arith.constant 4 : index
    %get3A_67 = memref.load %arg2[%get3A_66] : memref<10xf32, #tpu.memory_space<smem>>
    %sub3A_68 = arith.subf %get3A_65, %get3A_67 : f32
    %jit3A_69 = arith.constant 0.000000e+00 : f32
    %broadcast_in_dim3A_70 = vector.broadcast %sub3A_68 : f32 to vector<4096x128xf32>
    %broadcast_in_dim3A_71 = vector.broadcast %jit3A_69 : f32 to vector<4096x128xf32>
    %select_n3A_72 = arith.select %gt3A_63, %broadcast_in_dim3A_70, %broadcast_in_dim3A_71 : vector<4096x128xi1>, vector<4096x128xf32>
    %add3A_73 = arith.addf %add3A_59, %select_n3A_72 : vector<4096x128xf32>
    %get3A_74 = arith.constant 6 : index
    %get3A_75 = memref.load %arg1[%get3A_74] : memref<11xf32, #tpu.memory_space<smem>>
    %gt3A_76 = vector.broadcast %get3A_75 : f32 to vector<4096x128xf32>
    %gt3A_77 = arith.cmpf ogt, %get3A_4, %gt3A_76 : vector<4096x128xf32>
    %get3A_78 = arith.constant 6 : index
    %get3A_79 = memref.load %arg2[%get3A_78] : memref<10xf32, #tpu.memory_space<smem>>
    %get3A_80 = arith.constant 5 : index
    %get3A_81 = memref.load %arg2[%get3A_80] : memref<10xf32, #tpu.memory_space<smem>>
    %sub3A_82 = arith.subf %get3A_79, %get3A_81 : f32
    %jit3A_83 = arith.constant 0.000000e+00 : f32
    %broadcast_in_dim3A_84 = vector.broadcast %sub3A_82 : f32 to vector<4096x128xf32>
    %broadcast_in_dim3A_85 = vector.broadcast %jit3A_83 : f32 to vector<4096x128xf32>
    %select_n3A_86 = arith.select %gt3A_77, %broadcast_in_dim3A_84, %broadcast_in_dim3A_85 : vector<4096x128xi1>, vector<4096x128xf32>
    %add3A_87 = arith.addf %add3A_73, %select_n3A_86 : vector<4096x128xf32>
    %get3A_88 = arith.constant 7 : index
    %get3A_89 = memref.load %arg1[%get3A_88] : memref<11xf32, #tpu.memory_space<smem>>
    %gt3A_90 = vector.broadcast %get3A_89 : f32 to vector<4096x128xf32>
    %gt3A_91 = arith.cmpf ogt, %get3A_4, %gt3A_90 : vector<4096x128xf32>
    %get3A_92 = arith.constant 7 : index
    %get3A_93 = memref.load %arg2[%get3A_92] : memref<10xf32, #tpu.memory_space<smem>>
    %get3A_94 = arith.constant 6 : index
    %get3A_95 = memref.load %arg2[%get3A_94] : memref<10xf32, #tpu.memory_space<smem>>
    %sub3A_96 = arith.subf %get3A_93, %get3A_95 : f32
    %jit3A_97 = arith.constant 0.000000e+00 : f32
    %broadcast_in_dim3A_98 = vector.broadcast %sub3A_96 : f32 to vector<4096x128xf32>
    %broadcast_in_dim3A_99 = vector.broadcast %jit3A_97 : f32 to vector<4096x128xf32>
    %select_n3A_100 = arith.select %gt3A_91, %broadcast_in_dim3A_98, %broadcast_in_dim3A_99 : vector<4096x128xi1>, vector<4096x128xf32>
    %add3A_101 = arith.addf %add3A_87, %select_n3A_100 : vector<4096x128xf32>
    %get3A_102 = arith.constant 8 : index
    %get3A_103 = memref.load %arg1[%get3A_102] : memref<11xf32, #tpu.memory_space<smem>>
    %gt3A_104 = vector.broadcast %get3A_103 : f32 to vector<4096x128xf32>
    %gt3A_105 = arith.cmpf ogt, %get3A_4, %gt3A_104 : vector<4096x128xf32>
    %get3A_106 = arith.constant 8 : index
    %get3A_107 = memref.load %arg2[%get3A_106] : memref<10xf32, #tpu.memory_space<smem>>
    %get3A_108 = arith.constant 7 : index
    %get3A_109 = memref.load %arg2[%get3A_108] : memref<10xf32, #tpu.memory_space<smem>>
    %sub3A_110 = arith.subf %get3A_107, %get3A_109 : f32
    %jit3A_111 = arith.constant 0.000000e+00 : f32
    %broadcast_in_dim3A_112 = vector.broadcast %sub3A_110 : f32 to vector<4096x128xf32>
    %broadcast_in_dim3A_113 = vector.broadcast %jit3A_111 : f32 to vector<4096x128xf32>
    %select_n3A_114 = arith.select %gt3A_105, %broadcast_in_dim3A_112, %broadcast_in_dim3A_113 : vector<4096x128xi1>, vector<4096x128xf32>
    %add3A_115 = arith.addf %add3A_101, %select_n3A_114 : vector<4096x128xf32>
    %get3A_116 = arith.constant 9 : index
    %get3A_117 = memref.load %arg1[%get3A_116] : memref<11xf32, #tpu.memory_space<smem>>
    %gt3A_118 = vector.broadcast %get3A_117 : f32 to vector<4096x128xf32>
    %gt3A_119 = arith.cmpf ogt, %get3A_4, %gt3A_118 : vector<4096x128xf32>
    %get3A_120 = arith.constant 9 : index
    %get3A_121 = memref.load %arg2[%get3A_120] : memref<10xf32, #tpu.memory_space<smem>>
    %get3A_122 = arith.constant 8 : index
    %get3A_123 = memref.load %arg2[%get3A_122] : memref<10xf32, #tpu.memory_space<smem>>
    %sub3A_124 = arith.subf %get3A_121, %get3A_123 : f32
    %jit3A_125 = arith.constant 0.000000e+00 : f32
    %broadcast_in_dim3A_126 = vector.broadcast %sub3A_124 : f32 to vector<4096x128xf32>
    %broadcast_in_dim3A_127 = vector.broadcast %jit3A_125 : f32 to vector<4096x128xf32>
    %select_n3A_128 = arith.select %gt3A_119, %broadcast_in_dim3A_126, %broadcast_in_dim3A_127 : vector<4096x128xi1>, vector<4096x128xf32>
    %add3A_129 = arith.addf %add3A_115, %select_n3A_128 : vector<4096x128xf32>
    %eq3A = arith.constant 0 : i32
    %eq3A_130 = arith.cmpi eq, %arg0, %eq3A : i32
    %convert_element_type3A = arith.extui %eq3A_130 : i1 to i32
    %cond3A = arith.constant 0 : i32
    %cond3A_131 = arith.cmpi ne, %convert_element_type3A, %cond3A : i32
    scf.if %cond3A_131 {
      %swap3A_143 = arith.constant 0.000000e+00 : f32
      %swap3A_144 = arith.constant 0 : index
      %swap3A_145 = arith.constant 0 : index
      %swap3A_146 = memref.load %arg5[%swap3A_144, %swap3A_145] : memref<1x1xf32, #tpu.memory_space<smem>>
      memref.store %swap3A_143, %arg5[%swap3A_144, %swap3A_145] : memref<1x1xf32, #tpu.memory_space<smem>>
    } else {
    }
    %get3A_132 = arith.constant 0 : index
    %get3A_133 = arith.constant 0 : index
    %get3A_134 = memref.load %arg5[%get3A_132, %get3A_133] : memref<1x1xf32, #tpu.memory_space<smem>>
    %mul3A_135 = arith.mulf %mul3A, %add3A_129 : vector<4096x128xf32>
    %reduce_sum3A = vector.shape_cast %mul3A_135 : vector<4096x128xf32> to vector<1x4096x128xf32>
    %reduce_sum3A_136 = arith.constant dense<0.000000e+00> : vector<1xf32>
    %reduce_sum3A_137 = vector.multi_reduction <add>, %reduce_sum3A, %reduce_sum3A_136 [1, 2] : vector<1x4096x128xf32> to vector<1xf32>
    %reduce_sum3A_138 = vector.shape_cast %reduce_sum3A_137 : vector<1xf32> to vector<1x1x1xf32>
    %reduce_sum3A_139 = vector.extract %reduce_sum3A_138[0, 0, 0] : f32 from vector<1x1x1xf32>
    %add3A_140 = arith.addf %get3A_134, %reduce_sum3A_139 : f32
    %swap3A = arith.constant 0 : index
    %swap3A_141 = arith.constant 0 : index
    %swap3A_142 = memref.load %arg5[%swap3A, %swap3A_141] : memref<1x1xf32, #tpu.memory_space<smem>>
    memref.store %add3A_140, %arg5[%swap3A, %swap3A_141] : memref<1x1xf32, #tpu.memory_space<smem>>
    return
  }
  func.func @transform_0(%arg0: i32) -> i32 {
    %c0_i32 = arith.constant 0 : i32
    %c0_i32_0 = arith.constant 0 : i32
    return %c0_i32 : i32
  }
  func.func @transform_1(%arg0: i32) -> i32 {
    %c0_i32 = arith.constant 0 : i32
    %c0_i32_0 = arith.constant 0 : i32
    return %c0_i32 : i32
  }
  func.func @transform_2(%arg0: i32) -> (i32, i32) {
    %add3A = arith.constant 7 : i32
    %add3A_0 = arith.addi %add3A, %arg0 : i32
    %c0_i32 = arith.constant 0 : i32
    %c0_i32_1 = arith.constant 0 : i32
    return %add3A_0, %c0_i32 : i32, i32
  }
  func.func @transform_3(%arg0: i32) -> (i32, i32) {
    %add3A = arith.constant 7 : i32
    %add3A_0 = arith.addi %add3A, %arg0 : i32
    %c0_i32 = arith.constant 0 : i32
    %c0_i32_1 = arith.constant 0 : i32
    return %add3A_0, %c0_i32 : i32, i32
  }
  func.func @transform_4(%arg0: i32) -> (i32, i32) {
    %c0_i32 = arith.constant 0 : i32
    %c0_i32_0 = arith.constant 0 : i32
    %c0_i32_1 = arith.constant 0 : i32
    return %c0_i32, %c0_i32_0 : i32, i32
  }
}

</mosaic_0001>

<sc_bundles>
// kernel: kernel.4.cloned.1.call-start
scs
__scs_entry_jumppad:
0x0: {  	(pc) =	sbr.rel $0x88, $3  }
0x1: {  	(tag) =	ssettag $0x0;
	lr =	simm.s32 $0x1  }
0x2: {  	[smem:$0x3F9D] =	sst lr;
	_ =	strace $0xD0000000  }
0x3: {  	_ = 	snop  }
0x4: {  	_ = 	snop  }
0x5: {  	_ = 	snop  }
0x6: {  	_ = 	snop  }
0x7: {  	_ = 	snop  }
__scs_overlays_trampoline_lowered:
0x8: {  	[smem:$0x3FAC] =	sst s0  }
0x9: {  	[smem:$0x3FAD] =	sst s1  }
0xa: {  	[smem:$0x3FAE] =	sst s2  }
0xb: {  	[smem:$0x3FAF] =	sst s3  }
0xc: {  	[smem:$0x3FB0] =	sst s4  }
0xd: {  	[smem:$0x3FB1] =	sst s5  }
0xe: {  	[smem:$0x3FB2] =	sst s6  }
0xf: {  	[smem:$0x3FB3] =	sst s7  }
0x10: {  	[smem:$0x3FB4] =	sst s8  }
0x11: {  	[smem:$0x3FB5] =	sst s9;
	s0 =	simm.s32 @!p0 $0x0  }
0x12: {  	s1 =	sld [smem:$0x3F9B];
	s0 =	simm.s32 @p0 $0x1  }
0x13: {  	[smem:$0x3FB6] =	sst s0;
	s0 =	simm.s32 @!p1 $0x0  }
0x14: {  	s2 =	sld [smem:$0x3F9A];
	s0 =	simm.s32 @p1 $0x1  }
0x15: {  	[smem:$0x3FB7] =	sst s0;
	s0 =	simm.s32 @!p2 $0x0  }
0x16: {  	s3 =	sld [smem:$0x3FDB];
	s0 =	simm.s32 @p2 $0x1  }
0x17: {  	s4 =	simm.s32 $0x1BF5;
	[smem:$0x3FB9] =	sst s0  }
0x18: {  	s0 =	sld [smem:$0x3F9C];
	_ =	swait.ge [sflag:s4], $0x0  }
0x19: {  	s7 =	sld [smem:$0x3F9D]  }
0x1a: {  	s8 =	sadd.s32 $0xFFFFE003, lr  }
0x1b: {  	s9 =	sadd.s32 $0xFFFFFEF7, lr;
	s5 =	simm.s32 $0xFFFFFFFF;
	p2 =	slt.u32 s8, $0xFFFFF086  }
0x1c: {  	p1 =	slt.u32 s9, $0xF7A;
	s5 =	simm.s32 @!p2 $0x0  }
0x1d: {  	s5 =	simm.s32 @p1 $0x1;
	p0 =	seq.s32 s7, s2  }
0x1e: {  	s7 =	smul.u32 @!p0 $0xF7A, s2;
	p2 =	seq.s32 @!p0 s5, $0x0  }
0x1f: {  	s9 =	smul.u32 $0xF7A, s1;
	s8 =	simm.s32 @!p0 $0x1BF5;
	p2 =	por !p2, p0  }
0x20: {  	[sflag:s8] =	ssyncset.s32 @!p0 $0xFFFFF086;
	s6 =	sadd.s32 @!p0 s3, s7;
	s7 =	simm.s32 @!p0 $0x108  }
0x21: {  	s3 =	sadd.s32 s3, s9;
	s6 =	sadd.s32 @!p0 $0x88, s6;
	s7 =	simm.s32 @p2 $0x1082  }
0x22: {  	[simem:s7], [sflag:s8] =	dma.local @!p0 [hbm:s6], $0xF7A  }
0x23: {  	s9 =	sor.u32 $0xD0000000, s2;
	s6 =	simm.s32 $0x108;
	_ =	swait.ge @!p0 [sflag:s8], $0x0  }
0x24: {  	s3 =	sadd.s32 $0x88, s3;
	s6 =	simm.s32 @!p1 $0x1082;
	[sflag:s4] =	ssyncset.s32 $0xFFFFF086  }
0x25: {  	[simem:s6], [sflag:s4] =	dma.local [hbm:s3], $0xF7A  }
0x26: {  	[smem:$0x3F9D] =	sst s1;
	(tag) =	ssettag s2;
	_ =	strace s9  }
0x27: {  	s1 =	sld [smem:$0x3FAD]  }
0x28: {  	s2 =	sld [smem:$0x3FAE]  }
0x29: {  	s4 =	sld [smem:$0x3FB0]  }
0x2a: {  	p0 =	seq.s32 s5, $0x0;
	s5 =	sld [smem:$0x3FB1]  }
0x2b: {  	s6 =	sld [smem:$0x3FB2]  }
0x2c: {  	s7 =	sld [smem:$0x3FB3]  }
0x2d: {  	s3 =	simm.s32 $0x108;
	s8 =	sld [smem:$0x3FB4]  }
0x2e: {  	s3 =	simm.s32 @!p0 $0x1082;
	s9 =	sld [smem:$0x3FB5]  }
0x2f: {  	lr =	sadd.s32 s0, s3;
	s0 =	sld [smem:$0x3FAC]  }
0x30: {  	s3 =	sld [smem:$0x3FAF]  }
0x31: {  	[smem:$0x3FB8] =	sst s10  }
0x32: {  	s10 =	sld [smem:$0x3FB6];
	_ =	sdelay $0x3  }
0x33: {  	p0 =	seq.s32 s10, $0x1;
	s10 =	sld [smem:$0x3FB8];
	_ =	sdelay $0x3  }
0x34: {  	[smem:$0x3FB8] =	sst s10  }
0x35: {  	s10 =	sld [smem:$0x3FB7];
	_ =	sdelay $0x3  }
0x36: {  	p1 =	seq.s32 s10, $0x1;
	s10 =	sld [smem:$0x3FB8];
	_ =	sdelay $0x3  }
0x37: {  	[smem:$0x3FB8] =	sst s10  }
0x38: {  	s10 =	sld [smem:$0x3FB9]  }
0x39: {  	_ = 	snop;
	(pc) =	sbr.ind lr, $3  }
0x3a: {  	_ = 	snop  }
0x3b: {  	_ = 	snop  }
0x3c: {  	p2 =	seq.s32 s10, $0x1;
	s10 =	sld [smem:$0x3FB8]  }
0x3d: {  	_ =	shalt  }
0x3e: {  	_ =	shalt  }
0x3f: {  	_ =	shalt  }
0x40: {  	_ =	shalt  }
0x41: {  	_ =	shalt  }
0x42: {  	_ =	shalt  }
0x43: {  	_ =	shalt  }
0x44: {  	_ =	shalt  }
0x45: {  	_ =	shalt  }
0x46: {  	_ =	shalt  }
0x47: {  	_ =	shalt  }
0x48: {  	_ =	shalt  }
0x49: {  	_ =	shalt  }
0x4a: {  	_ =	shalt  }
0x4b: {  	_ =	shalt  }
0x4c: {  	_ =	shalt  }
0x4d: {  	_ =	shalt  }
0x4e: {  	_ =	shalt  }
0x4f: {  	_ =	shalt  }
0x50: {  	_ =	shalt  }
0x51: {  	_ =	shalt  }
0x52: {  	_ =	shalt  }
0x53: {  	_ =	shalt  }
0x54: {  	_ =	shalt  }
0x55: {  	_ =	shalt  }
0x56: {  	_ =	shalt  }
0x57: {  	_ =	shalt  }
0x58: {  	_ =	shalt  }
0x59: {  	_ =	shalt  }
0x5a: {  	_ =	shalt  }
0x5b: {  	_ =	shalt  }
0x5c: {  	_ =	shalt  }
0x5d: {  	_ =	shalt  }
0x5e: {  	_ =	shalt  }
0x5f: {  	_ =	shalt  }
0x60: {  	_ =	shalt  }
0x61: {  	_ =	shalt  }
0x62: {  	_ =	shalt  }
0x63: {  	_ =	shalt  }
0x64: {  	_ =	shalt  }
0x65: {  	_ =	shalt  }
0x66: {  	_ =	shalt  }
0x67: {  	_ =	shalt  }
0x68: {  	_ =	shalt  }
0x69: {  	_ =	shalt  }
0x6a: {  	_ =	shalt  }
0x6b: {  	_ =	shalt  }
0x6c: {  	_ =	shalt  }
0x6d: {  	_ =	shalt  }
0x6e: {  	_ =	shalt  }
0x6f: {  	_ =	shalt  }
0x70: {  	_ =	shalt  }
0x71: {  	_ =	shalt  }
0x72: {  	_ =	shalt  }
0x73: {  	_ =	shalt  }
0x74: {  	_ =	shalt  }
0x75: {  	_ =	shalt  }
0x76: {  	_ =	shalt  }
0x77: {  	_ =	shalt  }
0x78: {  	_ =	shalt  }
0x79: {  	_ =	shalt  }
0x7a: {  	_ =	shalt  }
0x7b: {  	_ =	shalt  }
0x7c: {  	_ =	shalt  }
0x7d: {  	_ =	shalt  }
0x7e: {  	_ =	shalt  }
0x7f: {  	_ =	shalt  }
0x80: {  	_ =	shalt  }
0x81: {  	_ =	shalt  }
0x82: {  	_ =	shalt  }
0x83: {  	_ =	shalt  }
0x84: {  	_ =	shalt  }
0x85: {  	_ =	shalt  }
0x86: {  	_ =	shalt  }
0x87: {  	_ =	shalt  }
.Lfunc_end0:
.L_simem_size_0:
called_computation_lowered:
.L_overlay_start_0:
0x88: {  	s2 =	sld [smem:$0x3FD9]  }
0x89: {  	s3 =	sld [smem:$0x3FFE];
	_ =	sdelay $0x1  }
0x8a: {  	s1 =	srdreg.scid  }
0x8b: {  	s0 =	sand.u32 $0x1, s1  }
0x8c: {  	s17 =	sshll.u32 s0, $0xA;
	s2 =	sadd.s32 s3, s2  }
0x8d: {  	s2 =	sadd.s32 s2, s17  }
0x8e: {  	[smem:$0x3FC4] =	sst s2  }
0x8f: {  	_ = 	snop  }
0x90: {  	s2 =	sld [smem:$0x3FC9]  }
0x91: {  	s18 =	sld [smem:$0x3FC8]  }
0x92: {  	s4 =	sld [smem:$0x3FC7]  }
0x93: {  	s5 =	sld [smem:$0x3FC6];
	(tm) =	ssettm $0x1  }
0x94: {  	s6 =	sld [smem:$0x3FFB];
	_ =	sdelay $0x3  }
0x95: {  	_ =	strace s6  }
0x96: {  	s6 =	sld [smem:$0x3FFC];
	_ =	sdelay $0x3  }
0x97: {  	_ =	strace s6  }
0x98: {  	s6 =	sld [smem:$0x3FFD];
	_ =	sdelay $0x3  }
0x99: {  	_ =	strace s6  }
0x9a: {  	_ =	strace $0x8FFFFFFF  }
0x9b: {  	s19 =	sld [smem:$0x3FDB];
	_ =	sdelay $0x1  }
0x9c: {  	s7 =	simm.s32 $_scs_section_size  }
0x9d: {  	s8 =	simm.s32 $_size__tile_overlayer_lowered;
	s9 =	simm.s32 $_tile_overlayer_lowered  }
0x9e: {  	s22 =	simm.s32 $0x1BFF;
	s21 =	sshll.u32 s9, $0x1;
	s6 =	sadd.s32 s7, s19  }
0x9f: {  	s10 =	simm.s32 $0x0;
	s20 =	sshll.u32 s8, $0x1;
	s8 =	sadd.s32 s21, s6  }
0xa0: {  	[timem:s10], [sflag:s22] =	dma.local [hbm:s8], s20  }
0xa1: {  	_ =	swait.ge [sflag:s22], s20  }
0xa2: {  	s7 =	ssub.s32 $0x0, s20;
	[sflag:s22] =	ssyncset.done $0x0  }
0xa3: {  	[sflag:s22] =	ssyncadd.s32 s7;
	_ =	sdelay $0x1  }
0xa4: {  	s23 =	simm.s32 $0x1B8B  }
0xa5: {  	_ =	swait.ge [sflag:s23], $0x1  }
0xa6: {  	[sflag:s23] =	ssyncset.done $0x0  }
0xa7: {  	s25 =	simm.s32 $0x1B8E;
	s24 =	sld [smem:$0x3FFE];
	[sflag:s23] =	ssyncadd.s32 $0xFFFFFFFF  }
0xa8: {  	s26 =	simm.s32 $execute0_lowered;
	[smem:$0x3FD2] =	sst s25  }
0xa9: {  	s8 =	sshll.u32 s26, $0x1;
	_ =	strace $0x80000046;
	[dreg:$0x1] =	wrdreg $0xFFFFFFFF  }
0xaa: {  	s28 =	simm.s32 $_size_execute0_lowered;
	s6 =	sadd.s32 s6, s8;
	[dreg:$0x0] =	wrdreg $0x0  }
0xab: {  	s8 =	sshll.u32 s28, $0x1;
	[dreg:$0x2] =	wrdreg s6  }
0xac: {  	[dreg:$0x3] =	wrdreg s8  }
0xad: {  	[dreg:$0x4] =	wrdreg $0xC0  }
0xae: {  	_ =	task [dreg:s10], $0x5FFFF  }
0xaf: {  	[dreg:$0x1] =	wrdreg $0xFFFFFFFF  }
0xb0: {  	[dreg:$0x0] =	wrdreg $0x60  }
0xb1: {  	[dreg:$0x2] =	wrdreg s2  }
0xb2: {  	[dreg:$0x3] =	wrdreg s18  }
0xb3: {  	[dreg:$0x4] =	wrdreg s4  }
0xb4: {  	[dreg:$0x5] =	wrdreg s5  }
0xb5: {  	[dreg:$0x6] =	wrdreg s24  }
0xb6: {  	[dreg:$0x7] =	wrdreg $0x9  }
0xb7: {  	_ =	task.clear_ibuf [dreg:s10], $0x8FFFF;
	_ =	strace $0x90000046  }
0xb8: {  	s29 =	simm.s32 $0x9;
	_ =	strace $0x80000048  }
0xb9: {  	_ =	swait.ge [sflag:s29], $0x1  }
0xba: {  	[sflag:s29] =	ssyncadd.s32 $0xFFFFFFFF  }
0xbb: {  	_ =	strace $0x90000048  }
0xbc: {  	_ =	sfence  }
0xbd: {  	s30 =	sld [smem:$0x0];
	_ =	sdelay $0x2  }
0xbe: {  	s31 =	sshll.u32 s1, $0xD;
	s1 =	sshrl.u32 s1, $0x2  }
0xbf: {  	s3 =	sand.u32 $0x4000, s31;
	s1 =	sadd.s32 s1, s30  }
0xc0: {  	s0 =	sor.u32 s3, s0;
	s1 =	sshll.u32 s1, $0x11  }
0xc1: {  	s0 =	sor.u32 s1, s0  }
0xc2: {  	s0 =	sadd.s32 $0x8F2B, s0  }
0xc3: {  	[sflag:s0] =	ssyncadd.remote.s32 $0x1  }
0xc4: {  	_ =	sfence.sel $0xFFFF  }
0xc5: {  	[dreg:$0x0] =	wrdreg $0xFFFFFFFF;
	(pc) =	sbr.abs _section_cstart, $3  }
0xc6: {  	[dreg:$0x1] =	wrdreg $0xFFFFFFFF  }
0xc7: {  	_ =	task.clear_ibuf [dreg:s10], $0x2FFFF;
	_ =	strace $0x9FFFFFFF  }
0xc8: {  	(tm) =	ssettm $0x7FFFFFFF  }
0xc9: {  	_ =	shalt  }
tec
execute0_lowered:
.L_overlay_start_1:
0x0: {  	(tag) =	ssettag $0x1  }
0x1: {  	s0 =	rddreg [dreg:$0x0]  }
0x2: {  	s1 =	rddreg [dreg:$0x1];
	s2 =	srdreg.scid  }
0x3: {  	s4 =	stileid.u32;
	s3 =	rddreg [dreg:$0x4];
	s21 =	simm.s32 $0x10000  }
0x4: {  	s23 =	simm.s32 $0x10080;
	s24 =	simm.s32 $0x1;
	s25 =	simm.s32 $0x3  }
0x5: {  	s2 =	sand.u32 $0x1, s2;
	s5 =	sshll.u32 s4, $0x1;
	s4 =	simm.s32 $0x0  }
0x6: {  	s30 =	simm.s32 $0x0;
	s5 =	sor.u32 s2, s5;
	[smem:$0x7FF] =	sst s4  }
0x7: {  	s2 =	ssub.s32 $0x2, s2;
	s6 =	smul.u32 $0x1C000, s5;
	s5 =	sshll.u32 s5, $0x4  }
0x8: {  	_ =	strace $0x80000047;
	s7 =	sshrl.u32 s2, $0x1;
	s3 =	sadd.s32 s5, s3  }
0x9: {  	s2 =	ssub.s32 s2, s7;
	s15 =	sshrl.u32 s6, $0x3;
	s29 =	sadd.s32 $0x400, s3  }
0xa: {  	s31 =	smax.u32 s2, $0x1;
	s5 =	sadd.s32 s0, s15;
	s6 =	sadd.s32 s1, s15  }
0xb: {  	v0 =	vimm.s32 $0x65432100;
	s8 =	sadd.s32 $0x800, s15;
	s10 =	sadd.s32 $0x1000, s15;
	s12 =	sadd.s32 $0x1800, s15  }
0xc: {  	v0 =	vunpack.c.l.s4.s8 v0;
	s14 =	sadd.s32 $0x2000, s15;
	s16 =	sadd.s32 $0x2800, s15;
	[dreg:$0x6] =	wrdreg s29  }
0xd: {  	s18 =	sadd.s32 $0x3000, s15;
	[dreg:$0x7] =	wrdreg s31;
	s7 =	sadd.s32 s0, s8  }
0xe: {  	v1 =	vimm.s32 $0x9090807;
	v0 =	vunpack.c.0.s8.s32 v0;
	s8 =	sadd.s32 s1, s8;
	s9 =	sadd.s32 s0, s10;
	s10 =	sadd.s32 s1, s10  }
0xf: {  	vm0 =	vcmask $0x1F00;
	v1 =	vunpack.c.0.s8.s32 v1;
	s11 =	sadd.s32 s0, s12;
	s12 =	sadd.s32 s1, s12;
	s13 =	sadd.s32 s0, s14  }
0x10: {  	vm15 =	vcmask $0x2F20;
	v0 =	vnsel vm0, $0x9, v0;
	s14 =	sadd.s32 s1, s14;
	s15 =	sadd.s32 s0, s16;
	s16 =	sadd.s32 s1, s16  }
0x11: {  	v0 =	vsel vm15, v1, v0;
	v1 =	vimm.s32 $0x0;
	s17 =	sadd.s32 s0, s18;
	s18 =	sadd.s32 s1, s18;
	s1 =	simm.s32 $0x5  }
.LBB2_1:
0x12: {  	s0 =	rddreg [dreg:$0x2]  }
0x13: {  	[tilespmem:s21], [sflag:$0x5] =	stream.linear.gather [hbm4b:s0+s4], $0xB, $0x38;
	[tilespmem:$0x10180] =	vst v63  }
0x14: {  	_ =	swait.ge [sflag:s1], $0xB  }
0x15: {  	[sflag:s1] =	ssyncset.done $0x0  }
0x16: {  	[sflag:s1] =	ssyncadd.s32 $0xFFFFFFF5  }
0x17: {  	s31 =	rddreg [dreg:$0x3]  }
0x18: {  	[tilespmem:s23], [sflag:$0x5] =	stream.linear.gather [hbm4b:s31+s4], $0xA, $0x38;
	[tilespmem:$0x10180] =	vst v63  }
0x19: {  	_ =	swait.ge [sflag:s1], $0xA  }
0x1a: {  	[sflag:s1] =	ssyncset.done $0x0  }
0x1b: {  	[sflag:s1] =	ssyncadd.s32 $0xFFFFFFF6  }
0x1c: {  	v2 =	vld.idx.msk [tilespmem:v0+s23+$0x0], $0xffff;
	_ =	sdelay $0x3  }
0x1d: {  	s3 =	sadd.s32 $0x0, s5  }
0x1e: {  	s2 =	simm.s32 $0x0;
	s0 =	simm.s32 $0x10;
	s1 =	simm.s32 $0x100;
	[tilespmem:$0x10080] =	vst v2  }
.LBB2_2:
0x1f: {  	[tilespmem:s2], [sflag:$0x1] =	stream.linear.gather [hbm4b:s3+s4], $0x80, $0x38;
	[tilespmem:$0x10180] =	vst v63  }
0x20: {  	s3 =	smov.u32 s0;
	s2 =	smov.u32 s1;
	p0 =	sne.s32 s0, $0x7F0  }
.Ltmp0:
0x21: {  	s0 =	sadd.s32 $0x10, s0;
	(pc) =	sbr.rel @p0 .LBB2_2-.Ltmp0, $2  }
0x22: {  	_ =	sdelay $0x2  }
0x23: {  	s1 =	sadd.s32 $0x100, s1;
	s3 =	sadd.s32 s3, s5  }
0x24: {  	[tilespmem:s2], [sflag:$0x1] =	stream.linear.gather [hbm4b:s3+s4], $0x80, $0x38;
	[tilespmem:$0x10180] =	vst v63  }
0x25: {  	s0 =	simm.s32 $0x8000  }
0x26: {  	s1 =	simm.s32 $0x10;
	s3 =	sadd.s32 $0x0, s6;
	s2 =	simm.s32 $0x8100  }
.LBB2_4:
0x27: {  	[tilespmem:s0], [sflag:$0x3] =	stream.linear.gather [hbm4b:s3+s4], $0x80, $0x38;
	[tilespmem:$0x10180] =	vst v63  }
0x28: {  	s3 =	smov.u32 s1;
	s0 =	smov.u32 s2;
	p0 =	sne.s32 s1, $0x7F0  }
.Ltmp1:
0x29: {  	s1 =	sadd.s32 $0x10, s1;
	(pc) =	sbr.rel @p0 .LBB2_4-.Ltmp1, $2  }
0x2a: {  	_ =	sdelay $0x2  }
0x2b: {  	s2 =	sadd.s32 $0x100, s2;
	s3 =	sadd.s32 s3, s6  }
0x2c: {  	[tilespmem:s0], [sflag:$0x3] =	stream.linear.gather [hbm4b:s3+s4], $0x80, $0x38;
	[tilespmem:$0x10180] =	vst v63  }
0x2d: {  	s0 =	simm.s32 $0x80  }
0x2e: {  	s1 =	simm.s32 $0x10;
	s3 =	sadd.s32 $0x0, s7;
	s2 =	simm.s32 $0x180  }
.LBB2_6:
0x2f: {  	[tilespmem:s0], [sflag:$0x2] =	stream.linear.gather [hbm4b:s3+s4], $0x80, $0x38;
	[tilespmem:$0x10180] =	vst v63  }
0x30: {  	s3 =	smov.u32 s1;
	s0 =	smov.u32 s2;
	p0 =	sne.s32 s1, $0x7F0  }
.Ltmp2:
0x31: {  	s1 =	sadd.s32 $0x10, s1;
	(pc) =	sbr.rel @p0 .LBB2_6-.Ltmp2, $2  }
0x32: {  	_ =	sdelay $0x2  }
0x33: {  	s2 =	sadd.s32 $0x100, s2;
	s3 =	sadd.s32 s3, s7  }
0x34: {  	[tilespmem:s0], [sflag:$0x2] =	stream.linear.gather [hbm4b:s3+s4], $0x80, $0x38;
	[tilespmem:$0x10180] =	vst v63  }
0x35: {  	s0 =	simm.s32 $0x8080  }
0x36: {  	s1 =	simm.s32 $0x10;
	s3 =	sadd.s32 $0x0, s8;
	s2 =	simm.s32 $0x8180  }
.LBB2_8:
0x37: {  	[tilespmem:s0], [sflag:$0x4] =	stream.linear.gather [hbm4b:s3+s4], $0x80, $0x38;
	[tilespmem:$0x10180] =	vst v63  }
0x38: {  	s3 =	smov.u32 s1;
	s0 =	smov.u32 s2;
	p0 =	sne.s32 s1, $0x7F0  }
.Ltmp3:
0x39: {  	s1 =	sadd.s32 $0x10, s1;
	(pc) =	sbr.rel @p0 .LBB2_8-.Ltmp3, $2  }
0x3a: {  	_ =	sdelay $0x2  }
0x3b: {  	s2 =	sadd.s32 $0x100, s2;
	s3 =	sadd.s32 s3, s8  }
0x3c: {  	[tilespmem:s0], [sflag:$0x4] =	stream.linear.gather [hbm4b:s3+s4], $0x80, $0x38;
	[tilespmem:$0x10180] =	vst v63  }
0x3d: {  	_ =	swait.ge [sflag:s24], $0x4000  }
0x3e: {  	[sflag:s24] =	ssyncset.done $0x0  }
0x3f: {  	[sflag:s24] =	ssyncadd.s32 $0xFFFFC000  }
0x40: {  	s22 =	simm.s32 $0x0;
	_ =	swait.ge [sflag:s25], $0x4000  }
0x41: {  	s1 =	sand.u32 $0x40, s22;
	s0 =	sand.u32 $0x7F00, s22;
	[sflag:s25] =	ssyncset.done $0x0  }
0x42: {  	s0 =	sor.u32 s1, s0;
	[sflag:s25] =	ssyncadd.s32 $0xFFFFC000  }
0x43: {  	v13 =	vld [tilespmem:s0+$0x8000];
	_ =	sdelay $0x1  }
0x44: {  	v15 =	vld [tilespmem:s0+$0x8010]  }
0x45: {  	v18 =	vld [tilespmem:s0+$0x8020]  }
0x46: {  	v17 =	vld [tilespmem:s0+$0x8030]  }
0x47: {  	v2 =	vmul.f32 $1.000000000e+01, v13;
	_ =	sdelay $0x1  }
0x48: {  	v3 =	vmul.f32 $1.000000000e+01, v15;
	v2 =	vadd.f32 $5.000000000e-01, v2  }
0x49: {  	s26 =	simm.s32 $0x80;
	s2 =	simm.s32 $0x40;
	v4 =	vmul.f32 $1.000000000e+01, v18  }
0x4a: {  	s2 =	sand.u32 $0x40, s2;
	s1 =	sand.u32 $0x7F00, s26;
	v6 =	vmul.f32 $1.000000000e+01, v17;
	v3 =	vadd.f32 $5.000000000e-01, v3;
	v2 =	vtrunc.f32 v2  }
0x4b: {  	s2 =	sor.u32 s2, s1;
	v4 =	vadd.f32 $5.000000000e-01, v4;
	v2 =	vcvt.f32.s32 v2  }
0x4c: {  	v5 =	vld [tilespmem:s2+$0x8030];
	v7 =	vadd.f32 $5.000000000e-01, v6;
	v3 =	vtrunc.f32 v3  }
0x4d: {  	v19 =	vld [tilespmem:s0+$0x30];
	v8 =	vcvt.f32.s32 v3;
	v3 =	vtrunc.f32 v4  }
0x4e: {  	v10 =	vcvt.f32.s32 v3;
	v3 =	vtrunc.f32 v7;
	v7 =	vld [tilespmem:s2+$0x8000]  }
0x4f: {  	v4 =	vld [tilespmem:s2+$0x8020]  }
0x50: {  	v25 =	vld [tilespmem:s0+$0x0];
	v16 =	vcvt.f32.s32 v3  }
0x51: {  	v3 =	vld.idx.msk [tilespmem:v2+s21+$0x0], $0xffff  }
0x52: {  	v6 =	vld [tilespmem:s2+$0x8010]  }
0x53: {  	v9 =	vld.idx.msk [tilespmem:v8+s21+$0x0], $0xffff;
	v11 =	vmul.f32 $1.000000000e+01, v7  }
0x54: {  	v24 =	vmul.f32 $1.000000000e+01, v4;
	v12 =	vld.idx.msk [tilespmem:v10+s21+$0x0], $0xffff  }
0x55: {  	s28 =	simm.s32 $0x100;
	s29 =	simm.s32 $0x80;
	v23 =	vld [tilespmem:s0+$0x10];
	v14 =	vmul.f32 $1.000000000e+01, v5;
	v11 =	vadd.f32 $5.000000000e-01, v11  }
0x56: {  	s3 =	sand.u32 $0x40, s29;
	s1 =	sand.u32 $0x7F00, s28;
	v25 =	vsub.f32 v25, v13;
	v24 =	vadd.f32 $5.000000000e-01, v24;
	v21 =	vld.idx.msk [tilespmem:v16+s21+$0x0], $0xffff;
	vm0 =	vgt.f32 v13, v3  }
0x57: {  	s31 =	sor.u32 s3, s1;
	v20 =	vld [tilespmem:s0+$0x20];
	v11 =	vtrunc.f32 v11;
	v3 =	vmul.f32 $1.000000000e+01, v6;
	v22 =	vsel vm0, $0x1, v1  }
0x58: {  	v11 =	vcvt.f32.s32 v11;
	vm0 =	vgt.f32 v15, v9;
	v22 =	vadd.s32 v22, v2;
	v2 =	vld [tilespmem:s31+$0x8030]  }
0x59: {  	v9 =	vadd.f32 $5.000000000e-01, v3;
	v26 =	vsel vm0, $0x1, v1;
	v3 =	vld [tilespmem:s31+$0x8020];
	vm0 =	vgt.f32 v18, v12  }
0x5a: {  	v15 =	vsub.f32 v23, v15;
	v26 =	vadd.s32 v26, v8;
	v8 =	vld [tilespmem:s31+$0x8010];
	v27 =	vsel vm0, $0x1, v1  }
0x5b: {  	vm0 =	vgt.f32 v17, v21;
	v21 =	vadd.f32 $5.000000000e-01, v14;
	v14 =	vld [tilespmem:s2+$0x30];
	v12 =	vtrunc.f32 v9  }
0x5c: {  	v31 =	vmul.f32 v15, v15;
	v15 =	vld [tilespmem:s2+$0x20];
	v27 =	vadd.s32 v27, v10;
	v12 =	vcvt.f32.s32 v12  }
0x5d: {  	v19 =	vsub.f32 v19, v17;
	v10 =	vtrunc.f32 v24;
	v24 =	vsel vm0, $0x1, v1;
	v22 =	vld.idx.msk [tilespmem:v22+s23+$0x0], $0xffff  }
0x5e: {  	v9 =	vld [tilespmem:s31+$0x8000];
	v10 =	vcvt.f32.s32 v10;
	v24 =	vadd.s32 v24, v16;
	v21 =	vtrunc.f32 v21  }
0x5f: {  	v13 =	vcvt.f32.s32 v21;
	v26 =	vld.idx.msk [tilespmem:v26+s23+$0x0], $0xffff  }
0x60: {  	v25 =	vmul.f32 v25, v25;
	v19 =	vmul.f32 v19, v19;
	v29 =	vld.idx.msk [tilespmem:v11+s21+$0x0], $0xffff  }
0x61: {  	v30 =	vsub.f32 v20, v18;
	v16 =	vmul.f32 $1.000000000e+01, v2;
	v28 =	vmul.f32 $1.000000000e+01, v3;
	v17 =	vld.idx.msk [tilespmem:v27+s23+$0x0], $0xffff  }
0x62: {  	v27 =	vmul.f32 $1.000000000e+01, v8;
	v21 =	vld.idx.msk [tilespmem:v12+s21+$0x0], $0xffff;
	v25 =	vmul.f32 v22, v25  }
0x63: {  	v32 =	vimm.f32 $0.0e+00;
	v23 =	vmul.f32 $1.000000000e+01, v9;
	v18 =	vld.idx.msk [tilespmem:v24+s23+$0x0], $0xffff;
	v24 =	vmul.f32 v30, v30  }
0x64: {  	v20 =	vld.idx.msk [tilespmem:v10+s21+$0x0], $0xffff;
	v27 =	vadd.f32 $5.000000000e-01, v27;
	v26 =	vmul.f32 v26, v31;
	v25 =	vadd.f32 v25, v32  }
0x65: {  	s1 =	simm.s32 $0x180;
	s3 =	simm.s32 $0xC0;
	s0 =	simm.s32 $0x8;
	vm0 =	vgt.f32 v7, v29;
	v22 =	vadd.f32 $5.000000000e-01, v28;
	v28 =	vadd.f32 $5.000000000e-01, v23;
	v23 =	vld.idx.msk [tilespmem:v13+s21+$0x0], $0xffff  }
.LBB2_10:
0x66: {  	s19 =	sand.u32 $0x40, s3;
	s20 =	sand.u32 $0x7F00, s1;
	v29 =	vsel vm0, $0x1, v1;
	v30 =	vld [tilespmem:s2+$0x10];
	v25 =	vadd.f32 v26, v25;
	v17 =	vmul.f32 v17, v24  }
0x67: {  	vm0 =	vgt.f32 v6, v21;
	v24 =	vtrunc.f32 v28;
	v26 =	vld [tilespmem:s2+$0x0];
	v28 =	vadd.s32 v29, v11;
	s2 =	smov.u32 s31;
	s31 =	sor.u32 s19, s20  }
0x68: {  	v29 =	vsel vm0, $0x1, v1;
	v18 =	vmul.f32 v18, v19;
	v21 =	vld [tilespmem:s31+$0x8030];
	v17 =	vadd.f32 v17, v25  }
0x69: {  	v11 =	vcvt.f32.s32 v24;
	v24 =	vadd.s32 v29, v12;
	vm0 =	vgt.f32 v4, v20;
	v19 =	vld [tilespmem:s31+$0x8020]  }
0x6a: {  	v12 =	vtrunc.f32 v27;
	v25 =	vsel vm0, $0x1, v1;
	v20 =	vld [tilespmem:s31+$0x8010];
	v27 =	vadd.f32 v18, v17  }
0x6b: {  	v12 =	vcvt.f32.s32 v12;
	v17 =	vadd.s32 v25, v10;
	vm0 =	vgt.f32 v5, v23;
	v29 =	vld [tilespmem:s31+$0x8000]  }
0x6c: {  	v16 =	vadd.f32 $5.000000000e-01, v16;
	v10 =	vtrunc.f32 v22;
	v22 =	vsel vm0, $0x1, v1;
	v18 =	vld.idx.msk [tilespmem:v28+s23+$0x0], $0xffff  }
0x6d: {  	s0 =	sadd.s32 $0x4, s0;
	v10 =	vcvt.f32.s32 v10;
	v22 =	vadd.s32 v22, v13;
	v23 =	vld [tilespmem:s2+$0x30]  }
0x6e: {  	p0 =	slt.u32 s0, $0x3FC;
	v13 =	vtrunc.f32 v16;
	v25 =	vsub.f32 v26, v7;
	v7 =	vmov v9;
	v26 =	vld.idx.msk [tilespmem:v24+s23+$0x0], $0xffff  }
0x6f: {  	v14 =	vsub.f32 v14, v5;
	v5 =	vmovc v2;
	v16 =	vmul.f32 $1.000000000e+01, v21;
	v13 =	vcvt.f32.s32 v13;
	v2 =	vmovc v21;
	v31 =	vld.idx.msk [tilespmem:v11+s21+$0x0], $0xffff  }
0x70: {  	v28 =	vmul.f32 $1.000000000e+01, v19;
	v34 =	vmul.f32 v25, v25;
	v24 =	vsub.f32 v30, v6;
	v6 =	vmovc v8;
	v17 =	vld.idx.msk [tilespmem:v17+s23+$0x0], $0xffff  }
.Ltmp4:
0x71: {  	v15 =	vsub.f32 v15, v4;
	v4 =	vmovc v3;
	v3 =	vmovc v19;
	v32 =	vmul.f32 $1.000000000e+01, v20;
	v30 =	vmul.f32 $1.000000000e+01, v29;
	v21 =	vld.idx.msk [tilespmem:v12+s21+$0x0], $0xffff;
	(pc) =	sbr.rel @p0 .LBB2_10-.Ltmp4, $4  }
0x72: {  	v8 =	vmovc v20;
	v33 =	vmul.f32 v24, v24;
	v9 =	vmov v29;
	v25 =	vmul.f32 v18, v34;
	v18 =	vld.idx.msk [tilespmem:v22+s23+$0x0], $0xffff  }
0x73: {  	v19 =	vmul.f32 v14, v14;
	v24 =	vmul.f32 v15, v15;
	v14 =	vmov v23;
	v20 =	vld.idx.msk [tilespmem:v10+s21+$0x0], $0xffff  }
0x74: {  	v22 =	vadd.f32 $5.000000000e-01, v28;
	v25 =	vadd.f32 v25, v27;
	v26 =	vmul.f32 v26, v33;
	v15 =	vld [tilespmem:s2+$0x20]  }
0x75: {  	s1 =	sadd.s32 $0x80, s1;
	s3 =	sadd.s32 $0x40, s3;
	v28 =	vadd.f32 $5.000000000e-01, v30;
	v27 =	vadd.f32 $5.000000000e-01, v32;
	vm0 =	vgt.f32 v7, v31;
	v23 =	vld.idx.msk [tilespmem:v13+s21+$0x0], $0xffff  }
0x76: {  	_ = 	snop  }
0x77: {  	v28 =	vtrunc.f32 v28  }
0x78: {  	v28 =	vcvt.f32.s32 v28  }
0x79: {  	v27 =	vtrunc.f32 v27  }
0x7a: {  	v27 =	vcvt.f32.s32 v27  }
0x7b: {  	v29 =	vsel vm0, $0x1, v1;
	v22 =	vtrunc.f32 v22;
	v16 =	vadd.f32 $5.000000000e-01, v16  }
0x7c: {  	vm9 =	vgt.f32 v6, v21;
	v11 =	vadd.s32 v29, v11;
	v39 =	vcvt.f32.s32 v22  }
0x7d: {  	v40 =	vld [tilespmem:s2+$0x0];
	v41 =	vsel vm9, $0x1, v1;
	v16 =	vtrunc.f32 v16  }
0x7e: {  	v12 =	vadd.s32 v41, v12;
	vm10 =	vgt.f32 v4, v20;
	v16 =	vcvt.f32.s32 v16;
	v42 =	vld.idx.msk [tilespmem:v28+s21+$0x0], $0xffff  }
0x7f: {  	v43 =	vld [tilespmem:s2+$0x10];
	v25 =	vadd.f32 v26, v25;
	v17 =	vmul.f32 v17, v24;
	v44 =	vsel vm10, $0x1, v1  }
0x80: {  	v10 =	vadd.s32 v44, v10;
	vm11 =	vgt.f32 v5, v23;
	v45 =	vld.idx.msk [tilespmem:v27+s21+$0x0], $0xffff  }
0x81: {  	v18 =	vmul.f32 v18, v19;
	v17 =	vadd.f32 v17, v25;
	v46 =	vsel vm11, $0x1, v1;
	v11 =	vld.idx.msk [tilespmem:v11+s23+$0x0], $0xffff  }
0x82: {  	v7 =	vsub.f32 v40, v7;
	v13 =	vadd.s32 v46, v13;
	v47 =	vld.idx.msk [tilespmem:v39+s21+$0x0], $0xffff  }
0x83: {  	v4 =	vsub.f32 v15, v4;
	v17 =	vadd.f32 v18, v17;
	v12 =	vld.idx.msk [tilespmem:v12+s23+$0x0], $0xffff;
	vm12 =	vgt.f32 v9, v42  }
0x84: {  	v48 =	vsub.f32 v43, v6;
	v7 =	vmul.f32 v7, v7;
	v49 =	vld.idx.msk [tilespmem:v16+s21+$0x0], $0xffff;
	v50 =	vsel vm12, $0x1, v1  }
0x85: {  	v5 =	vsub.f32 v14, v5;
	v10 =	vld.idx.msk [tilespmem:v10+s23+$0x0], $0xffff;
	vm13 =	vgt.f32 v8, v45;
	v51 =	vadd.s32 v50, v28  }
0x86: {  	v52 =	vld [tilespmem:s31+$0x0];
	v6 =	vmul.f32 v48, v48;
	v7 =	vmul.f32 v11, v7;
	v53 =	vsel vm13, $0x1, v1  }
0x87: {  	v4 =	vmul.f32 v4, v4;
	v13 =	vld.idx.msk [tilespmem:v13+s23+$0x0], $0xffff;
	vm14 =	vgt.f32 v3, v47;
	v18 =	vadd.s32 v53, v27  }
0x88: {  	v54 =	vld [tilespmem:s31+$0x10];
	v6 =	vmul.f32 v12, v6;
	v7 =	vadd.f32 v7, v17;
	v55 =	vsel vm14, $0x1, v1  }
0x89: {  	v56 =	vld [tilespmem:s31+$0x20];
	v5 =	vmul.f32 v5, v5;
	v17 =	vadd.s32 v55, v39;
	vm15 =	vgt.f32 v2, v49  }
0x8a: {  	v4 =	vmul.f32 v10, v4;
	v6 =	vadd.f32 v6, v7;
	v58 =	vsel vm15, $0x1, v1;
	v57 =	vld.idx.msk [tilespmem:v51+s23+$0x0], $0xffff  }
0x8b: {  	v59 =	vld [tilespmem:s31+$0x30];
	v60 =	vsub.f32 v52, v9;
	v10 =	vadd.s32 v58, v16  }
0x8c: {  	v5 =	vmul.f32 v13, v5;
	v4 =	vadd.f32 v4, v6;
	v61 =	vld.idx.msk [tilespmem:v18+s23+$0x0], $0xffff  }
0x8d: {  	v62 =	vsub.f32 v54, v8;
	v9 =	vmul.f32 v60, v60  }
0x8e: {  	v4 =	vadd.f32 v5, v4;
	v5 =	vld.idx.msk [tilespmem:v17+s23+$0x0], $0xffff  }
0x8f: {  	v3 =	vsub.f32 v56, v3;
	v8 =	vmul.f32 v62, v62;
	v7 =	vmul.f32 v57, v9  }
0x90: {  	v2 =	vsub.f32 v59, v2;
	v63 =	vld.idx.msk [tilespmem:v10+s23+$0x0], $0xffff  }
0x91: {  	v3 =	vmul.f32 v3, v3;
	v6 =	vmul.f32 v61, v8;
	v4 =	vadd.f32 v7, v4;
	_ =	sdelay $0x1  }
0x92: {  	v2 =	vmul.f32 v2, v2;
	v3 =	vmul.f32 v5, v3;
	v4 =	vadd.f32 v6, v4;
	_ =	sdelay $0x1  }
0x93: {  	v2 =	vmul.f32 v63, v2;
	v3 =	vadd.f32 v3, v4  }
0x94: {  	s0 =	simm.s32 $0x0  }
0x95: {  	s1 =	simm.s32 $0x10;
	s3 =	sadd.s32 $0x0, s9;
	s2 =	simm.s32 $0x100;
	v3 =	vadd.f32 v2, v3  }
.LBB2_12:
0x96: {  	[tilespmem:s0], [sflag:$0x1] =	stream.linear.gather [hbm4b:s3+s4], $0x80, $0x38;
	[tilespmem:$0x10180] =	vst v63  }
0x97: {  	s3 =	smov.u32 s1;
	s0 =	smov.u32 s2;
	p0 =	sne.s32 s1, $0x7F0  }
.Ltmp5:
0x98: {  	s1 =	sadd.s32 $0x10, s1;
	(pc) =	sbr.rel @p0 .LBB2_12-.Ltmp5, $2  }
0x99: {  	_ =	sdelay $0x2  }
0x9a: {  	s2 =	sadd.s32 $0x100, s2;
	s3 =	sadd.s32 s3, s9  }
0x9b: {  	[tilespmem:s0], [sflag:$0x1] =	stream.linear.gather [hbm4b:s3+s4], $0x80, $0x38;
	[tilespmem:$0x10180] =	vst v63  }
0x9c: {  	s0 =	simm.s32 $0x8000  }
0x9d: {  	s1 =	simm.s32 $0x10;
	s3 =	sadd.s32 $0x0, s10;
	s2 =	simm.s32 $0x8100  }
.LBB2_14:
0x9e: {  	[tilespmem:s0], [sflag:$0x3] =	stream.linear.gather [hbm4b:s3+s4], $0x80, $0x38;
	[tilespmem:$0x10180] =	vst v63  }
0x9f: {  	s3 =	smov.u32 s1;
	s0 =	smov.u32 s2;
	p0 =	sne.s32 s1, $0x7F0  }
.Ltmp6:
0xa0: {  	s1 =	sadd.s32 $0x10, s1;
	(pc) =	sbr.rel @p0 .LBB2_14-.Ltmp6, $2  }
0xa1: {  	_ =	sdelay $0x2  }
0xa2: {  	s2 =	sadd.s32 $0x100, s2;
	s3 =	sadd.s32 s3, s10  }
0xa3: {  	[tilespmem:s0], [sflag:$0x3] =	stream.linear.gather [hbm4b:s3+s4], $0x80, $0x38;
	[tilespmem:$0x10180] =	vst v63  }
0xa4: {  	s1 =	simm.s32 $0x2  }
0xa5: {  	_ =	swait.ge [sflag:s1], $0x4000  }
0xa6: {  	p0 =	por $0x0, $0x0;
	s0 =	simm.s32 $0x1;
	[sflag:s1] =	ssyncset.done $0x0  }
0xa7: {  	s26 =	simm.s32 $0x4;
	s0 =	simm.s32 @!p0 $0x0;
	[sflag:s1] =	ssyncadd.s32 $0xFFFFC000  }
0xa8: {  	s0 =	sshll.u32 s0, $0x6;
	_ =	swait.ge [sflag:s26], $0x4000  }
0xa9: {  	s0 =	sadd.s32 $0x0, s0;
	[sflag:s26] =	ssyncset.done $0x0  }
0xaa: {  	s3 =	sor.u32 $0x80, s0;
	[sflag:s26] =	ssyncadd.s32 $0xFFFFC000  }
0xab: {  	s19 =	sor.u32 $0x90, s0;
	v12 =	vld [tilespmem:s3+$0x8000]  }
0xac: {  	s20 =	sor.u32 $0xA0, s0;
	v17 =	vld [tilespmem:s19+$0x8000]  }
0xad: {  	s22 =	sor.u32 $0xB0, s0;
	v21 =	vld [tilespmem:s20+$0x8000]  }
0xae: {  	v18 =	vld [tilespmem:s22+$0x8000];
	_ =	sdelay $0x1  }
0xaf: {  	v2 =	vmul.f32 $1.000000000e+01, v12  }
0xb0: {  	v4 =	vmul.f32 $1.000000000e+01, v17  }
0xb1: {  	p0 =	por !p0, !p0;
	s0 =	simm.s32 $0x1;
	v5 =	vmul.f32 $1.000000000e+01, v21;
	v2 =	vadd.f32 $5.000000000e-01, v2  }
0xb2: {  	s0 =	simm.s32 @!p0 $0x0;
	v6 =	vmul.f32 $1.000000000e+01, v18;
	v4 =	vadd.f32 $5.000000000e-01, v4  }
0xb3: {  	s0 =	sshll.u32 s0, $0x6;
	v7 =	vadd.f32 $5.000000000e-01, v5;
	v2 =	vtrunc.f32 v2  }
0xb4: {  	s28 =	sadd.s32 $0x80, s0;
	v6 =	vadd.f32 $5.000000000e-01, v6;
	v4 =	vtrunc.f32 v4;
	v2 =	vcvt.f32.s32 v2  }
0xb5: {  	s1 =	sor.u32 $0x80, s28;
	v7 =	vtrunc.f32 v7;
	v9 =	vcvt.f32.s32 v4  }
0xb6: {  	s26 =	sor.u32 $0xB0, s28;
	v8 =	vld [tilespmem:s1+$0x8000];
	v6 =	vtrunc.f32 v6;
	v11 =	vcvt.f32.s32 v7  }
0xb7: {  	s0 =	sor.u32 $0xA0, s28;
	v5 =	vld [tilespmem:s26+$0x8000];
	v16 =	vcvt.f32.s32 v6  }
0xb8: {  	s2 =	sor.u32 $0x90, s28;
	v4 =	vld [tilespmem:s0+$0x8000]  }
0xb9: {  	v7 =	vld [tilespmem:s2+$0x8000]  }
0xba: {  	v6 =	vld.idx.msk [tilespmem:v2+s21+$0x0], $0xffff  }
0xbb: {  	v10 =	vld.idx.msk [tilespmem:v9+s21+$0x0], $0xffff  }
0xbc: {  	v13 =	vmul.f32 $1.000000000e+01, v8;
	v14 =	vld.idx.msk [tilespmem:v11+s21+$0x0], $0xffff  }
0xbd: {  	v19 =	vld.idx.msk [tilespmem:v16+s21+$0x0], $0xffff  }
0xbe: {  	v13 =	vadd.f32 $5.000000000e-01, v13;
	v25 =	vmul.f32 $1.000000000e+01, v4  }
0xbf: {  	p0 =	por !p0, !p0;
	v22 =	vld [tilespmem:s22+$0x0];
	s22 =	simm.s32 $0x1  }
0xc0: {  	v23 =	vld [tilespmem:s20+$0x0];
	s22 =	simm.s32 @!p0 $0x0;
	v13 =	vtrunc.f32 v13;
	v15 =	vmul.f32 $1.000000000e+01, v5;
	v25 =	vadd.f32 $5.000000000e-01, v25  }
0xc1: {  	v24 =	vld [tilespmem:s19+$0x0];
	s28 =	sshll.u32 s22, $0x6;
	vm0 =	vgt.f32 v12, v6;
	v6 =	vmul.f32 $1.000000000e+01, v7;
	vm13 =	vgt.f32 v17, v10  }
0xc2: {  	v26 =	vld [tilespmem:s3+$0x0];
	s20 =	sadd.s32 $0x100, s28;
	vm14 =	vgt.f32 v21, v14;
	vm15 =	vgt.f32 v18, v19;
	v20 =	vsel vm0, $0x1, v1  }
0xc3: {  	s31 =	sor.u32 $0xB0, s20;
	v19 =	vadd.f32 $5.000000000e-01, v15;
	v15 =	vld [tilespmem:s26+$0x0];
	v27 =	vsel vm13, $0x1, v1;
	v20 =	vadd.s32 v20, v2  }
0xc4: {  	s29 =	sor.u32 $0xA0, s20;
	v28 =	vsel vm14, $0x1, v1;
	v10 =	vadd.f32 $5.000000000e-01, v6;
	v2 =	vld [tilespmem:s31+$0x8000];
	v27 =	vadd.s32 v27, v9  }
0xc5: {  	s3 =	sor.u32 $0x90, s20;
	v13 =	vcvt.f32.s32 v13;
	v6 =	vld [tilespmem:s29+$0x8000];
	v28 =	vadd.s32 v28, v11;
	v11 =	vtrunc.f32 v25  }
0xc6: {  	s19 =	sor.u32 $0x80, s20;
	v9 =	vld [tilespmem:s3+$0x8000];
	v11 =	vcvt.f32.s32 v11;
	v14 =	vtrunc.f32 v10  }
0xc7: {  	v10 =	vld [tilespmem:s19+$0x8000];
	v14 =	vcvt.f32.s32 v14  }
0xc8: {  	v26 =	vsub.f32 v26, v12;
	v21 =	vsub.f32 v23, v21;
	v29 =	vld.idx.msk [tilespmem:v20+s23+$0x0], $0xffff;
	v20 =	vsel vm15, $0x1, v1  }
0xc9: {  	v31 =	vsub.f32 v22, v18;
	v25 =	vtrunc.f32 v19;
	v19 =	vld.idx.msk [tilespmem:v27+s23+$0x0], $0xffff;
	v30 =	vadd.s32 v20, v16  }
0xca: {  	v26 =	vmul.f32 v26, v26;
	v17 =	vsub.f32 v24, v17;
	v24 =	vmul.f32 v21, v21;
	v18 =	vld.idx.msk [tilespmem:v28+s23+$0x0], $0xffff  }
0xcb: {  	v21 =	vmul.f32 v31, v31;
	v12 =	vcvt.f32.s32 v25;
	v20 =	vld.idx.msk [tilespmem:v13+s21+$0x0], $0xffff  }
0xcc: {  	v25 =	vmul.f32 $1.000000000e+01, v6;
	v28 =	vmul.f32 $1.000000000e+01, v9;
	v23 =	vld.idx.msk [tilespmem:v11+s21+$0x0], $0xffff  }
0xcd: {  	v16 =	vmul.f32 $1.000000000e+01, v2;
	v27 =	vmul.f32 $1.000000000e+01, v10;
	v22 =	vld.idx.msk [tilespmem:v14+s21+$0x0], $0xffff  }
0xce: {  	p0 =	por !p0, !p0;
	s22 =	simm.s32 $0x8;
	s20 =	simm.s32 $0x100;
	v29 =	vmul.f32 v29, v26;
	v26 =	vmul.f32 v17, v17;
	v17 =	vld.idx.msk [tilespmem:v30+s23+$0x0], $0xffff  }
.LBB2_16:
0xcf: {  	s26 =	simm.s32 $0x1  }
0xd0: {  	v25 =	vadd.f32 $5.000000000e-01, v25;
	v30 =	vld [tilespmem:s0+$0x0];
	v3 =	vadd.f32 v29, v3;
	v19 =	vmul.f32 v19, v26;
	s0 =	smov.u32 s29;
	s26 =	simm.s32 @!p0 $0x0  }
0xd1: {  	v26 =	vadd.f32 $5.000000000e-01, v27;
	v27 =	vadd.f32 $5.000000000e-01, v28;
	s20 =	sadd.s32 $0x80, s20;
	vm0 =	vgt.f32 v8, v20;
	s26 =	sshll.u32 s26, $0x6;
	v20 =	vld.idx.msk [tilespmem:v12+s21+$0x0], $0xffff  }
0xd2: {  	v28 =	vsel vm0, $0x1, v1;
	v18 =	vmul.f32 v18, v24;
	v3 =	vadd.f32 v19, v3;
	s26 =	sadd.s32 s26, s20;
	v29 =	vld [tilespmem:s2+$0x0];
	s2 =	smov.u32 s3  }
0xd3: {  	v19 =	vtrunc.f32 v26;
	v26 =	vadd.s32 v28, v13;
	vm0 =	vgt.f32 v7, v22;
	s28 =	sor.u32 $0xB0, s26;
	v24 =	vld [tilespmem:s1+$0x0];
	s1 =	smov.u32 s19  }
0xd4: {  	v28 =	vsel vm0, $0x1, v1;
	v17 =	vmul.f32 v17, v21;
	s29 =	sor.u32 $0xA0, s26;
	v3 =	vadd.f32 v18, v3;
	v22 =	vld [tilespmem:s28+$0x8000]  }
0xd5: {  	v13 =	vcvt.f32.s32 v19;
	s3 =	sor.u32 $0x90, s26;
	v18 =	vadd.s32 v28, v14;
	vm0 =	vgt.f32 v4, v23;
	v21 =	vld [tilespmem:s29+$0x8000]  }
0xd6: {  	s19 =	sor.u32 $0x80, s26;
	v14 =	vtrunc.f32 v27;
	v19 =	vsel vm0, $0x1, v1;
	v3 =	vadd.f32 v17, v3;
	v23 =	vld [tilespmem:s3+$0x8000]  }
0xd7: {  	s22 =	sadd.s32 $0x4, s22;
	v14 =	vcvt.f32.s32 v14;
	v17 =	vadd.s32 v19, v11;
	vm0 =	vgt.f32 v5, v20;
	v31 =	vld [tilespmem:s19+$0x8000]  }
0xd8: {  	v16 =	vadd.f32 $5.000000000e-01, v16;
	p1 =	slt.u32 s22, $0x3FC;
	v11 =	vtrunc.f32 v25;
	v19 =	vsel vm0, $0x1, v1;
	v26 =	vld.idx.msk [tilespmem:v26+s23+$0x0], $0xffff  }
0xd9: {  	v11 =	vcvt.f32.s32 v11;
	v33 =	vadd.s32 v19, v12;
	v32 =	vld [tilespmem:s31+$0x0];
	s31 =	smov.u32 s28  }
0xda: {  	v12 =	vtrunc.f32 v16;
	v24 =	vsub.f32 v24, v8;
	v8 =	vmov v10;
	v19 =	vld.idx.msk [tilespmem:v18+s23+$0x0], $0xffff  }
.Ltmp7:
0xdb: {  	v15 =	vsub.f32 v15, v5;
	v5 =	vmovc v2;
	v16 =	vmul.f32 $1.000000000e+01, v22;
	v12 =	vcvt.f32.s32 v12;
	v2 =	vmovc v22;
	v20 =	vld.idx.msk [tilespmem:v13+s21+$0x0], $0xffff;
	(pc) =	sbr.rel @p1 .LBB2_16-.Ltmp7, $4  }
0xdc: {  	v25 =	vmul.f32 $1.000000000e+01, v21;
	v34 =	vmul.f32 v24, v24;
	v24 =	vsub.f32 v29, v7;
	v7 =	vmovc v9;
	v18 =	vld.idx.msk [tilespmem:v17+s23+$0x0], $0xffff  }
0xdd: {  	v30 =	vsub.f32 v30, v4;
	v4 =	vmovc v6;
	v6 =	vmovc v21;
	v28 =	vmul.f32 $1.000000000e+01, v23;
	v27 =	vmul.f32 $1.000000000e+01, v31;
	v22 =	vld.idx.msk [tilespmem:v14+s21+$0x0], $0xffff  }
0xde: {  	v9 =	vmovc v23;
	v10 =	vmov v31;
	v29 =	vmul.f32 v26, v34;
	v26 =	vmul.f32 v24, v24;
	v17 =	vld.idx.msk [tilespmem:v33+s23+$0x0], $0xffff  }
0xdf: {  	p0 =	por !p0, !p0;
	v21 =	vmul.f32 v15, v15;
	v24 =	vmul.f32 v30, v30;
	v15 =	vmov v32;
	v23 =	vld.idx.msk [tilespmem:v11+s21+$0x0], $0xffff  }
0xe0: {  	v27 =	vadd.f32 $5.000000000e-01, v27;
	_ =	sdelay $0x1  }
0xe1: {  	v28 =	vadd.f32 $5.000000000e-01, v28;
	v27 =	vtrunc.f32 v27  }
0xe2: {  	v27 =	vcvt.f32.s32 v27  }
0xe3: {  	v25 =	vadd.f32 $5.000000000e-01, v25;
	v28 =	vtrunc.f32 v28  }
0xe4: {  	vm0 =	vgt.f32 v8, v20;
	v38 =	vld.idx.msk [tilespmem:v12+s21+$0x0], $0xffff;
	v37 =	vcvt.f32.s32 v28  }
0xe5: {  	v16 =	vadd.f32 $5.000000000e-01, v16;
	v30 =	vld [tilespmem:s0+$0x0];
	v39 =	vsel vm0, $0x1, v1;
	v25 =	vtrunc.f32 v25  }
0xe6: {  	v41 =	vld [tilespmem:s1+$0x0];
	v13 =	vadd.s32 v39, v13;
	vm9 =	vgt.f32 v7, v22;
	v40 =	vcvt.f32.s32 v25  }
0xe7: {  	v44 =	vld [tilespmem:s2+$0x0];
	v16 =	vtrunc.f32 v16;
	v42 =	vsel vm9, $0x1, v1  }
0xe8: {  	v16 =	vcvt.f32.s32 v16;
	v14 =	vadd.s32 v42, v14;
	vm10 =	vgt.f32 v4, v23;
	v43 =	vld.idx.msk [tilespmem:v27+s21+$0x0], $0xffff  }
0xe9: {  	v3 =	vadd.f32 v29, v3;
	v19 =	vmul.f32 v19, v26;
	v55 =	vld [tilespmem:s19+$0x0];
	v45 =	vsel vm10, $0x1, v1  }
0xea: {  	vm11 =	vgt.f32 v5, v38;
	v11 =	vadd.s32 v45, v11;
	v46 =	vld.idx.msk [tilespmem:v37+s21+$0x0], $0xffff  }
0xeb: {  	v18 =	vmul.f32 v18, v24;
	v3 =	vadd.f32 v19, v3;
	v47 =	vsel vm11, $0x1, v1;
	v13 =	vld.idx.msk [tilespmem:v13+s23+$0x0], $0xffff  }
0xec: {  	v50 =	vsub.f32 v15, v5;
	v8 =	vsub.f32 v41, v8;
	v48 =	vadd.s32 v47, v12;
	v49 =	vld.idx.msk [tilespmem:v40+s21+$0x0], $0xffff  }
0xed: {  	v17 =	vmul.f32 v17, v21;
	v3 =	vadd.f32 v18, v3;
	v14 =	vld.idx.msk [tilespmem:v14+s23+$0x0], $0xffff;
	vm12 =	vgt.f32 v10, v43  }
0xee: {  	v51 =	vsub.f32 v44, v7;
	v8 =	vmul.f32 v8, v8;
	v52 =	vld.idx.msk [tilespmem:v16+s21+$0x0], $0xffff;
	v53 =	vsel vm12, $0x1, v1  }
0xef: {  	v3 =	vadd.f32 v17, v3;
	v11 =	vld.idx.msk [tilespmem:v11+s23+$0x0], $0xffff;
	vm13 =	vgt.f32 v9, v46;
	v17 =	vadd.s32 v53, v27  }
0xf0: {  	v54 =	vsub.f32 v30, v4;
	v8 =	vmul.f32 v13, v8;
	v19 =	vsel vm13, $0x1, v1  }
0xf1: {  	v7 =	vmul.f32 v51, v51;
	v12 =	vld.idx.msk [tilespmem:v48+s23+$0x0], $0xffff;
	vm14 =	vgt.f32 v6, v49;
	v19 =	vadd.s32 v19, v37  }
0xf2: {  	v4 =	vmul.f32 v54, v54;
	v3 =	vadd.f32 v8, v3;
	v8 =	vld [tilespmem:s3+$0x0];
	v56 =	vsel vm14, $0x1, v1  }
0xf3: {  	v57 =	vld [tilespmem:s29+$0x0];
	v7 =	vmul.f32 v14, v7;
	vm15 =	vgt.f32 v2, v52;
	v14 =	vadd.s32 v56, v40  }
0xf4: {  	v10 =	vsub.f32 v55, v10;
	v4 =	vmul.f32 v11, v4;
	v11 =	vsel vm15, $0x1, v1;
	v58 =	vld.idx.msk [tilespmem:v17+s23+$0x0], $0xffff  }
0xf5: {  	v59 =	vld [tilespmem:s31+$0x0];
	v5 =	vmul.f32 v50, v50;
	v3 =	vadd.f32 v7, v3;
	v11 =	vadd.s32 v11, v16  }
0xf6: {  	v10 =	vmul.f32 v10, v10;
	v61 =	vld.idx.msk [tilespmem:v19+s23+$0x0], $0xffff  }
0xf7: {  	v60 =	vmul.f32 v12, v5;
	v3 =	vadd.f32 v4, v3;
	v8 =	vsub.f32 v8, v9  }
0xf8: {  	v63 =	vsub.f32 v57, v6;
	v62 =	vld.idx.msk [tilespmem:v14+s23+$0x0], $0xffff  }
0xf9: {  	v3 =	vadd.f32 v60, v3;
	v8 =	vmul.f32 v8, v8;
	v7 =	vmul.f32 v58, v10  }
0xfa: {  	v2 =	vsub.f32 v59, v2;
	v9 =	vld.idx.msk [tilespmem:v11+s23+$0x0], $0xffff  }
0xfb: {  	v6 =	vmul.f32 v63, v63;
	v5 =	vmul.f32 v61, v8;
	v3 =	vadd.f32 v7, v3;
	_ =	sdelay $0x1  }
0xfc: {  	v2 =	vmul.f32 v2, v2;
	v4 =	vmul.f32 v62, v6;
	v3 =	vadd.f32 v5, v3;
	_ =	sdelay $0x1  }
0xfd: {  	v2 =	vmul.f32 v9, v2;
	v3 =	vadd.f32 v4, v3  }
0xfe: {  	s0 =	simm.s32 $0x80  }
0xff: {  	s1 =	simm.s32 $0x10;
	s2 =	simm.s32 $0x180;
	s3 =	sadd.s32 $0x0, s11;
	v10 =	vadd.f32 v2, v3  }
.LBB2_18:
0x100: {  	[tilespmem:s0], [sflag:$0x2] =	stream.linear.gather [hbm4b:s3+s4], $0x80, $0x38;
	[tilespmem:$0x10180] =	vst v63  }
0x101: {  	s3 =	smov.u32 s1;
	s0 =	smov.u32 s2;
	p0 =	sne.s32 s1, $0x7F0  }
.Ltmp8:
0x102: {  	s1 =	sadd.s32 $0x10, s1;
	(pc) =	sbr.rel @p0 .LBB2_18-.Ltmp8, $2  }
0x103: {  	_ =	sdelay $0x2  }
0x104: {  	s2 =	sadd.s32 $0x100, s2;
	s3 =	sadd.s32 s3, s11  }
0x105: {  	[tilespmem:s0], [sflag:$0x2] =	stream.linear.gather [hbm4b:s3+s4], $0x80, $0x38;
	[tilespmem:$0x10180] =	vst v63  }
0x106: {  	s0 =	simm.s32 $0x8080  }
0x107: {  	s1 =	simm.s32 $0x10;
	s3 =	sadd.s32 $0x0, s12;
	s2 =	simm.s32 $0x8180  }
.LBB2_20:
0x108: {  	[tilespmem:s0], [sflag:$0x4] =	stream.linear.gather [hbm4b:s3+s4], $0x80, $0x38;
	[tilespmem:$0x10180] =	vst v63  }
0x109: {  	s3 =	smov.u32 s1;
	s0 =	smov.u32 s2;
	p0 =	sne.s32 s1, $0x7F0  }
.Ltmp9:
0x10a: {  	s1 =	sadd.s32 $0x10, s1;
	(pc) =	sbr.rel @p0 .LBB2_20-.Ltmp9, $2  }
0x10b: {  	_ =	sdelay $0x2  }
0x10c: {  	s2 =	sadd.s32 $0x100, s2;
	s3 =	sadd.s32 s3, s12  }
0x10d: {  	[tilespmem:s0], [sflag:$0x4] =	stream.linear.gather [hbm4b:s3+s4], $0x80, $0x38;
	[tilespmem:$0x10180] =	vst v63  }
0x10e: {  	_ =	swait.ge [sflag:s24], $0x4000  }
0x10f: {  	[sflag:s24] =	ssyncset.done $0x0  }
0x110: {  	[sflag:s24] =	ssyncadd.s32 $0xFFFFC000  }
0x111: {  	s26 =	simm.s32 $0x0;
	_ =	swait.ge [sflag:s25], $0x4000  }
0x112: {  	s1 =	sand.u32 $0x40, s26;
	s0 =	sand.u32 $0x7F00, s26;
	[sflag:s25] =	ssyncset.done $0x0  }
0x113: {  	s1 =	sor.u32 s1, s0;
	[sflag:s25] =	ssyncadd.s32 $0xFFFFC000  }
0x114: {  	v14 =	vld [tilespmem:s1+$0x8000];
	_ =	sdelay $0x1  }
0x115: {  	v16 =	vld [tilespmem:s1+$0x8010]  }
0x116: {  	v19 =	vld [tilespmem:s1+$0x8020]  }
0x117: {  	v18 =	vld [tilespmem:s1+$0x8030]  }
0x118: {  	v2 =	vmul.f32 $1.000000000e+01, v14;
	_ =	sdelay $0x1  }
0x119: {  	v3 =	vmul.f32 $1.000000000e+01, v16;
	v2 =	vadd.f32 $5.000000000e-01, v2  }
0x11a: {  	s28 =	simm.s32 $0x80;
	s2 =	simm.s32 $0x40;
	v4 =	vmul.f32 $1.000000000e+01, v19  }
0x11b: {  	s2 =	sand.u32 $0x40, s2;
	s0 =	sand.u32 $0x7F00, s28;
	v6 =	vmul.f32 $1.000000000e+01, v18;
	v3 =	vadd.f32 $5.000000000e-01, v3;
	v2 =	vtrunc.f32 v2  }
0x11c: {  	s0 =	sor.u32 s2, s0;
	v4 =	vadd.f32 $5.000000000e-01, v4;
	v2 =	vcvt.f32.s32 v2  }
0x11d: {  	v5 =	vld [tilespmem:s0+$0x8030];
	v7 =	vadd.f32 $5.000000000e-01, v6;
	v3 =	vtrunc.f32 v3  }
0x11e: {  	v20 =	vld [tilespmem:s1+$0x30];
	v8 =	vcvt.f32.s32 v3;
	v3 =	vtrunc.f32 v4  }
0x11f: {  	v11 =	vcvt.f32.s32 v3;
	v3 =	vtrunc.f32 v7;
	v7 =	vld [tilespmem:s0+$0x8000]  }
0x120: {  	v4 =	vld [tilespmem:s0+$0x8020]  }
0x121: {  	v26 =	vld [tilespmem:s1+$0x0];
	v17 =	vcvt.f32.s32 v3  }
0x122: {  	v3 =	vld.idx.msk [tilespmem:v2+s21+$0x0], $0xffff  }
0x123: {  	v6 =	vld [tilespmem:s0+$0x8010]  }
0x124: {  	v9 =	vld.idx.msk [tilespmem:v8+s21+$0x0], $0xffff;
	v12 =	vmul.f32 $1.000000000e+01, v7  }
0x125: {  	v25 =	vmul.f32 $1.000000000e+01, v4;
	v13 =	vld.idx.msk [tilespmem:v11+s21+$0x0], $0xffff  }
0x126: {  	s29 =	simm.s32 $0x100;
	s31 =	simm.s32 $0x80;
	v24 =	vld [tilespmem:s1+$0x10];
	v15 =	vmul.f32 $1.000000000e+01, v5;
	v12 =	vadd.f32 $5.000000000e-01, v12  }
0x127: {  	s3 =	sand.u32 $0x40, s31;
	s2 =	sand.u32 $0x7F00, s29;
	v26 =	vsub.f32 v26, v14;
	v25 =	vadd.f32 $5.000000000e-01, v25;
	v22 =	vld.idx.msk [tilespmem:v17+s21+$0x0], $0xffff;
	vm0 =	vgt.f32 v14, v3  }
0x128: {  	s2 =	sor.u32 s3, s2;
	v21 =	vld [tilespmem:s1+$0x20];
	v12 =	vtrunc.f32 v12;
	v3 =	vmul.f32 $1.000000000e+01, v6;
	v23 =	vsel vm0, $0x1, v1  }
0x129: {  	v12 =	vcvt.f32.s32 v12;
	vm0 =	vgt.f32 v16, v9;
	v23 =	vadd.s32 v23, v2;
	v2 =	vld [tilespmem:s2+$0x8030]  }
0x12a: {  	v9 =	vadd.f32 $5.000000000e-01, v3;
	v27 =	vsel vm0, $0x1, v1;
	v3 =	vld [tilespmem:s2+$0x8020];
	vm0 =	vgt.f32 v19, v13  }
0x12b: {  	v16 =	vsub.f32 v24, v16;
	v27 =	vadd.s32 v27, v8;
	v8 =	vld [tilespmem:s2+$0x8010];
	v28 =	vsel vm0, $0x1, v1  }
0x12c: {  	vm0 =	vgt.f32 v18, v22;
	v22 =	vadd.f32 $5.000000000e-01, v15;
	v15 =	vld [tilespmem:s0+$0x30];
	v13 =	vtrunc.f32 v9  }
0x12d: {  	v20 =	vsub.f32 v20, v18;
	v9 =	vld [tilespmem:s2+$0x8000];
	v28 =	vadd.s32 v28, v11;
	v13 =	vcvt.f32.s32 v13  }
0x12e: {  	v32 =	vmul.f32 v16, v16;
	v11 =	vtrunc.f32 v25;
	v25 =	vsel vm0, $0x1, v1;
	v23 =	vld.idx.msk [tilespmem:v23+s23+$0x0], $0xffff  }
0x12f: {  	v16 =	vld [tilespmem:s0+$0x20];
	v11 =	vcvt.f32.s32 v11;
	v25 =	vadd.s32 v25, v17;
	v22 =	vtrunc.f32 v22  }
0x130: {  	v24 =	vsub.f32 v21, v19;
	v14 =	vcvt.f32.s32 v22;
	v27 =	vld.idx.msk [tilespmem:v27+s23+$0x0], $0xffff  }
0x131: {  	v26 =	vmul.f32 v26, v26;
	v20 =	vmul.f32 v20, v20;
	v29 =	vld.idx.msk [tilespmem:v12+s21+$0x0], $0xffff  }
0x132: {  	v24 =	vmul.f32 v24, v24;
	v17 =	vmul.f32 $1.000000000e+01, v2;
	v18 =	vld.idx.msk [tilespmem:v28+s23+$0x0], $0xffff  }
0x133: {  	v28 =	vmul.f32 $1.000000000e+01, v9;
	v22 =	vld.idx.msk [tilespmem:v13+s21+$0x0], $0xffff;
	v26 =	vmul.f32 v23, v26  }
0x134: {  	v30 =	vmul.f32 $1.000000000e+01, v3;
	v31 =	vmul.f32 $1.000000000e+01, v8;
	v19 =	vld.idx.msk [tilespmem:v25+s23+$0x0], $0xffff  }
0x135: {  	v21 =	vld.idx.msk [tilespmem:v11+s21+$0x0], $0xffff;
	v28 =	vadd.f32 $5.000000000e-01, v28;
	v25 =	vadd.f32 v26, v10;
	v26 =	vmul.f32 v27, v32  }
0x136: {  	s19 =	simm.s32 $0xC0;
	s3 =	simm.s32 $0x180;
	s1 =	simm.s32 $0x8;
	vm0 =	vgt.f32 v7, v29;
	v23 =	vadd.f32 $5.000000000e-01, v30;
	v27 =	vadd.f32 $5.000000000e-01, v31;
	v10 =	vld.idx.msk [tilespmem:v14+s21+$0x0], $0xffff  }
.LBB2_22:
0x137: {  	s20 =	sand.u32 $0x40, s19;
	s22 =	sand.u32 $0x7F00, s3;
	v29 =	vsel vm0, $0x1, v1;
	v30 =	vld [tilespmem:s0+$0x10];
	v25 =	vadd.f32 v26, v25;
	v18 =	vmul.f32 v18, v24  }
0x138: {  	vm0 =	vgt.f32 v6, v22;
	v24 =	vtrunc.f32 v28;
	v26 =	vld [tilespmem:s0+$0x0];
	v28 =	vadd.s32 v29, v12;
	s0 =	smov.u32 s2;
	s2 =	sor.u32 s20, s22  }
0x139: {  	v29 =	vsel vm0, $0x1, v1;
	v19 =	vmul.f32 v19, v20;
	v22 =	vld [tilespmem:s2+$0x8030];
	v18 =	vadd.f32 v18, v25  }
0x13a: {  	v12 =	vcvt.f32.s32 v24;
	v24 =	vadd.s32 v29, v13;
	vm0 =	vgt.f32 v4, v21;
	v20 =	vld [tilespmem:s2+$0x8020]  }
0x13b: {  	v13 =	vtrunc.f32 v27;
	v25 =	vsel vm0, $0x1, v1;
	v21 =	vld [tilespmem:s2+$0x8010];
	v27 =	vadd.f32 v19, v18  }
0x13c: {  	v13 =	vcvt.f32.s32 v13;
	v18 =	vadd.s32 v25, v11;
	vm0 =	vgt.f32 v5, v10;
	v29 =	vld [tilespmem:s2+$0x8000]  }
0x13d: {  	v17 =	vadd.f32 $5.000000000e-01, v17;
	v10 =	vtrunc.f32 v23;
	v23 =	vsel vm0, $0x1, v1;
	v19 =	vld.idx.msk [tilespmem:v28+s23+$0x0], $0xffff  }
0x13e: {  	s1 =	sadd.s32 $0x4, s1;
	v11 =	vcvt.f32.s32 v10;
	v23 =	vadd.s32 v23, v14;
	v10 =	vld [tilespmem:s0+$0x30]  }
0x13f: {  	p0 =	slt.u32 s1, $0x3FC;
	v14 =	vtrunc.f32 v17;
	v25 =	vsub.f32 v26, v7;
	v7 =	vmov v9;
	v26 =	vld.idx.msk [tilespmem:v24+s23+$0x0], $0xffff  }
0x140: {  	v15 =	vsub.f32 v15, v5;
	v5 =	vmovc v2;
	v17 =	vmul.f32 $1.000000000e+01, v22;
	v14 =	vcvt.f32.s32 v14;
	v2 =	vmovc v22;
	v31 =	vld.idx.msk [tilespmem:v12+s21+$0x0], $0xffff  }
0x141: {  	v28 =	vmul.f32 $1.000000000e+01, v20;
	v34 =	vmul.f32 v25, v25;
	v24 =	vsub.f32 v30, v6;
	v6 =	vmovc v8;
	v18 =	vld.idx.msk [tilespmem:v18+s23+$0x0], $0xffff  }
.Ltmp10:
0x142: {  	v16 =	vsub.f32 v16, v4;
	v4 =	vmovc v3;
	v3 =	vmovc v20;
	v32 =	vmul.f32 $1.000000000e+01, v21;
	v30 =	vmul.f32 $1.000000000e+01, v29;
	v22 =	vld.idx.msk [tilespmem:v13+s21+$0x0], $0xffff;
	(pc) =	sbr.rel @p0 .LBB2_22-.Ltmp10, $4  }
0x143: {  	v8 =	vmovc v21;
	v33 =	vmul.f32 v24, v24;
	v9 =	vmov v29;
	v25 =	vmul.f32 v19, v34;
	v19 =	vld.idx.msk [tilespmem:v23+s23+$0x0], $0xffff  }
0x144: {  	v20 =	vmul.f32 v15, v15;
	v24 =	vmul.f32 v16, v16;
	v15 =	vmov v10;
	v21 =	vld.idx.msk [tilespmem:v11+s21+$0x0], $0xffff  }
0x145: {  	v23 =	vadd.f32 $5.000000000e-01, v28;
	v25 =	vadd.f32 v25, v27;
	v26 =	vmul.f32 v26, v33;
	v16 =	vld [tilespmem:s0+$0x20]  }
0x146: {  	s3 =	sadd.s32 $0x80, s3;
	s19 =	sadd.s32 $0x40, s19;
	v28 =	vadd.f32 $5.000000000e-01, v30;
	v27 =	vadd.f32 $5.000000000e-01, v32;
	vm0 =	vgt.f32 v7, v31;
	v10 =	vld.idx.msk [tilespmem:v14+s21+$0x0], $0xffff  }
0x147: {  	_ = 	snop  }
0x148: {  	v28 =	vtrunc.f32 v28  }
0x149: {  	v28 =	vcvt.f32.s32 v28  }
0x14a: {  	v27 =	vtrunc.f32 v27  }
0x14b: {  	v27 =	vcvt.f32.s32 v27  }
0x14c: {  	v29 =	vsel vm0, $0x1, v1;
	v23 =	vtrunc.f32 v23;
	v17 =	vadd.f32 $5.000000000e-01, v17  }
0x14d: {  	vm9 =	vgt.f32 v6, v22;
	v12 =	vadd.s32 v29, v12;
	v39 =	vcvt.f32.s32 v23  }
0x14e: {  	v40 =	vld [tilespmem:s0+$0x0];
	v41 =	vsel vm9, $0x1, v1;
	v17 =	vtrunc.f32 v17  }
0x14f: {  	v13 =	vadd.s32 v41, v13;
	vm10 =	vgt.f32 v4, v21;
	v17 =	vcvt.f32.s32 v17;
	v42 =	vld.idx.msk [tilespmem:v28+s21+$0x0], $0xffff  }
0x150: {  	v43 =	vld [tilespmem:s0+$0x10];
	v25 =	vadd.f32 v26, v25;
	v18 =	vmul.f32 v18, v24;
	v44 =	vsel vm10, $0x1, v1  }
0x151: {  	v11 =	vadd.s32 v44, v11;
	vm11 =	vgt.f32 v5, v10;
	v45 =	vld.idx.msk [tilespmem:v27+s21+$0x0], $0xffff  }
0x152: {  	v19 =	vmul.f32 v19, v20;
	v18 =	vadd.f32 v18, v25;
	v46 =	vsel vm11, $0x1, v1;
	v12 =	vld.idx.msk [tilespmem:v12+s23+$0x0], $0xffff  }
0x153: {  	v7 =	vsub.f32 v40, v7;
	v14 =	vadd.s32 v46, v14;
	v47 =	vld.idx.msk [tilespmem:v39+s21+$0x0], $0xffff  }
0x154: {  	v4 =	vsub.f32 v16, v4;
	v18 =	vadd.f32 v19, v18;
	v13 =	vld.idx.msk [tilespmem:v13+s23+$0x0], $0xffff;
	vm12 =	vgt.f32 v9, v42  }
0x155: {  	v48 =	vsub.f32 v43, v6;
	v7 =	vmul.f32 v7, v7;
	v49 =	vld.idx.msk [tilespmem:v17+s21+$0x0], $0xffff;
	v50 =	vsel vm12, $0x1, v1  }
0x156: {  	v5 =	vsub.f32 v15, v5;
	v11 =	vld.idx.msk [tilespmem:v11+s23+$0x0], $0xffff;
	vm13 =	vgt.f32 v8, v45;
	v51 =	vadd.s32 v50, v28  }
0x157: {  	v52 =	vld [tilespmem:s2+$0x0];
	v6 =	vmul.f32 v48, v48;
	v7 =	vmul.f32 v12, v7;
	v53 =	vsel vm13, $0x1, v1  }
0x158: {  	v4 =	vmul.f32 v4, v4;
	v14 =	vld.idx.msk [tilespmem:v14+s23+$0x0], $0xffff;
	vm14 =	vgt.f32 v3, v47;
	v12 =	vadd.s32 v53, v27  }
0x159: {  	v54 =	vld [tilespmem:s2+$0x10];
	v6 =	vmul.f32 v13, v6;
	v7 =	vadd.f32 v7, v18;
	v55 =	vsel vm14, $0x1, v1  }
0x15a: {  	v56 =	vld [tilespmem:s2+$0x20];
	v5 =	vmul.f32 v5, v5;
	v18 =	vadd.s32 v55, v39;
	vm15 =	vgt.f32 v2, v49  }
0x15b: {  	v4 =	vmul.f32 v11, v4;
	v6 =	vadd.f32 v6, v7;
	v58 =	vsel vm15, $0x1, v1;
	v57 =	vld.idx.msk [tilespmem:v51+s23+$0x0], $0xffff  }
0x15c: {  	v59 =	vld [tilespmem:s2+$0x30];
	v60 =	vsub.f32 v52, v9;
	v11 =	vadd.s32 v58, v17  }
0x15d: {  	v5 =	vmul.f32 v14, v5;
	v4 =	vadd.f32 v4, v6;
	v61 =	vld.idx.msk [tilespmem:v12+s23+$0x0], $0xffff  }
0x15e: {  	v62 =	vsub.f32 v54, v8;
	v9 =	vmul.f32 v60, v60  }
0x15f: {  	v4 =	vadd.f32 v5, v4;
	v5 =	vld.idx.msk [tilespmem:v18+s23+$0x0], $0xffff  }
0x160: {  	v3 =	vsub.f32 v56, v3;
	v8 =	vmul.f32 v62, v62;
	v7 =	vmul.f32 v57, v9  }
0x161: {  	v2 =	vsub.f32 v59, v2;
	v63 =	vld.idx.msk [tilespmem:v11+s23+$0x0], $0xffff  }
0x162: {  	v3 =	vmul.f32 v3, v3;
	v6 =	vmul.f32 v61, v8;
	v4 =	vadd.f32 v7, v4;
	_ =	sdelay $0x1  }
0x163: {  	v2 =	vmul.f32 v2, v2;
	v3 =	vmul.f32 v5, v3;
	v4 =	vadd.f32 v6, v4;
	_ =	sdelay $0x1  }
0x164: {  	v2 =	vmul.f32 v63, v2;
	v3 =	vadd.f32 v3, v4  }
0x165: {  	s0 =	simm.s32 $0x0  }
0x166: {  	s1 =	simm.s32 $0x10;
	s3 =	sadd.s32 $0x0, s13;
	s2 =	simm.s32 $0x100;
	v3 =	vadd.f32 v2, v3  }
.LBB2_24:
0x167: {  	[tilespmem:s0], [sflag:$0x1] =	stream.linear.gather [hbm4b:s3+s4], $0x80, $0x38;
	[tilespmem:$0x10180] =	vst v63  }
0x168: {  	s3 =	smov.u32 s1;
	s0 =	smov.u32 s2;
	p0 =	sne.s32 s1, $0x7F0  }
.Ltmp11:
0x169: {  	s1 =	sadd.s32 $0x10, s1;
	(pc) =	sbr.rel @p0 .LBB2_24-.Ltmp11, $2  }
0x16a: {  	_ =	sdelay $0x2  }
0x16b: {  	s2 =	sadd.s32 $0x100, s2;
	s3 =	sadd.s32 s3, s13  }
0x16c: {  	[tilespmem:s0], [sflag:$0x1] =	stream.linear.gather [hbm4b:s3+s4], $0x80, $0x38;
	[tilespmem:$0x10180] =	vst v63  }
0x16d: {  	s0 =	simm.s32 $0x8000  }
0x16e: {  	s1 =	simm.s32 $0x10;
	s3 =	sadd.s32 $0x0, s14;
	s2 =	simm.s32 $0x8100  }
.LBB2_26:
0x16f: {  	[tilespmem:s0], [sflag:$0x3] =	stream.linear.gather [hbm4b:s3+s4], $0x80, $0x38;
	[tilespmem:$0x10180] =	vst v63  }
0x170: {  	s3 =	smov.u32 s1;
	s0 =	smov.u32 s2;
	p0 =	sne.s32 s1, $0x7F0  }
.Ltmp12:
0x171: {  	s1 =	sadd.s32 $0x10, s1;
	(pc) =	sbr.rel @p0 .LBB2_26-.Ltmp12, $2  }
0x172: {  	_ =	sdelay $0x2  }
0x173: {  	s2 =	sadd.s32 $0x100, s2;
	s3 =	sadd.s32 s3, s14  }
0x174: {  	[tilespmem:s0], [sflag:$0x3] =	stream.linear.gather [hbm4b:s3+s4], $0x80, $0x38;
	[tilespmem:$0x10180] =	vst v63  }
0x175: {  	s1 =	simm.s32 $0x2  }
0x176: {  	_ =	swait.ge [sflag:s1], $0x4000  }
0x177: {  	p0 =	por $0x0, $0x0;
	s0 =	simm.s32 $0x1;
	[sflag:s1] =	ssyncset.done $0x0  }
0x178: {  	s26 =	simm.s32 $0x4;
	s0 =	simm.s32 @!p0 $0x0;
	[sflag:s1] =	ssyncadd.s32 $0xFFFFC000  }
0x179: {  	s0 =	sshll.u32 s0, $0x6;
	_ =	swait.ge [sflag:s26], $0x4000  }
0x17a: {  	s0 =	sadd.s32 $0x0, s0;
	[sflag:s26] =	ssyncset.done $0x0  }
0x17b: {  	s3 =	sor.u32 $0x80, s0;
	[sflag:s26] =	ssyncadd.s32 $0xFFFFC000  }
0x17c: {  	s19 =	sor.u32 $0x90, s0;
	v12 =	vld [tilespmem:s3+$0x8000]  }
0x17d: {  	s20 =	sor.u32 $0xA0, s0;
	v17 =	vld [tilespmem:s19+$0x8000]  }
0x17e: {  	s22 =	sor.u32 $0xB0, s0;
	v21 =	vld [tilespmem:s20+$0x8000]  }
0x17f: {  	v18 =	vld [tilespmem:s22+$0x8000];
	_ =	sdelay $0x1  }
0x180: {  	v2 =	vmul.f32 $1.000000000e+01, v12  }
0x181: {  	v4 =	vmul.f32 $1.000000000e+01, v17  }
0x182: {  	p0 =	por !p0, !p0;
	s0 =	simm.s32 $0x1;
	v5 =	vmul.f32 $1.000000000e+01, v21;
	v2 =	vadd.f32 $5.000000000e-01, v2  }
0x183: {  	s0 =	simm.s32 @!p0 $0x0;
	v6 =	vmul.f32 $1.000000000e+01, v18;
	v4 =	vadd.f32 $5.000000000e-01, v4  }
0x184: {  	s0 =	sshll.u32 s0, $0x6;
	v7 =	vadd.f32 $5.000000000e-01, v5;
	v2 =	vtrunc.f32 v2  }
0x185: {  	s28 =	sadd.s32 $0x80, s0;
	v6 =	vadd.f32 $5.000000000e-01, v6;
	v4 =	vtrunc.f32 v4;
	v2 =	vcvt.f32.s32 v2  }
0x186: {  	s1 =	sor.u32 $0x80, s28;
	v7 =	vtrunc.f32 v7;
	v9 =	vcvt.f32.s32 v4  }
0x187: {  	s26 =	sor.u32 $0xB0, s28;
	v8 =	vld [tilespmem:s1+$0x8000];
	v6 =	vtrunc.f32 v6;
	v11 =	vcvt.f32.s32 v7  }
0x188: {  	s0 =	sor.u32 $0xA0, s28;
	v5 =	vld [tilespmem:s26+$0x8000];
	v16 =	vcvt.f32.s32 v6  }
0x189: {  	s2 =	sor.u32 $0x90, s28;
	v4 =	vld [tilespmem:s0+$0x8000]  }
0x18a: {  	v7 =	vld [tilespmem:s2+$0x8000]  }
0x18b: {  	v6 =	vld.idx.msk [tilespmem:v2+s21+$0x0], $0xffff  }
0x18c: {  	v10 =	vld.idx.msk [tilespmem:v9+s21+$0x0], $0xffff  }
0x18d: {  	v13 =	vmul.f32 $1.000000000e+01, v8;
	v14 =	vld.idx.msk [tilespmem:v11+s21+$0x0], $0xffff  }
0x18e: {  	v19 =	vld.idx.msk [tilespmem:v16+s21+$0x0], $0xffff  }
0x18f: {  	v13 =	vadd.f32 $5.000000000e-01, v13;
	v25 =	vmul.f32 $1.000000000e+01, v4  }
0x190: {  	p0 =	por !p0, !p0;
	v22 =	vld [tilespmem:s22+$0x0];
	s22 =	simm.s32 $0x1  }
0x191: {  	v23 =	vld [tilespmem:s20+$0x0];
	s22 =	simm.s32 @!p0 $0x0;
	v13 =	vtrunc.f32 v13;
	v15 =	vmul.f32 $1.000000000e+01, v5;
	v25 =	vadd.f32 $5.000000000e-01, v25  }
0x192: {  	v24 =	vld [tilespmem:s19+$0x0];
	s28 =	sshll.u32 s22, $0x6;
	vm0 =	vgt.f32 v12, v6;
	v6 =	vmul.f32 $1.000000000e+01, v7;
	vm13 =	vgt.f32 v17, v10  }
0x193: {  	v26 =	vld [tilespmem:s3+$0x0];
	s20 =	sadd.s32 $0x100, s28;
	vm14 =	vgt.f32 v21, v14;
	vm15 =	vgt.f32 v18, v19;
	v20 =	vsel vm0, $0x1, v1  }
0x194: {  	s31 =	sor.u32 $0xB0, s20;
	v19 =	vadd.f32 $5.000000000e-01, v15;
	v15 =	vld [tilespmem:s26+$0x0];
	v27 =	vsel vm13, $0x1, v1;
	v20 =	vadd.s32 v20, v2  }
0x195: {  	s29 =	sor.u32 $0xA0, s20;
	v28 =	vsel vm14, $0x1, v1;
	v10 =	vadd.f32 $5.000000000e-01, v6;
	v2 =	vld [tilespmem:s31+$0x8000];
	v27 =	vadd.s32 v27, v9  }
0x196: {  	s3 =	sor.u32 $0x90, s20;
	v13 =	vcvt.f32.s32 v13;
	v6 =	vld [tilespmem:s29+$0x8000];
	v28 =	vadd.s32 v28, v11;
	v11 =	vtrunc.f32 v25  }
0x197: {  	s19 =	sor.u32 $0x80, s20;
	v9 =	vld [tilespmem:s3+$0x8000];
	v11 =	vcvt.f32.s32 v11;
	v14 =	vtrunc.f32 v10  }
0x198: {  	v10 =	vld [tilespmem:s19+$0x8000];
	v14 =	vcvt.f32.s32 v14  }
0x199: {  	v26 =	vsub.f32 v26, v12;
	v21 =	vsub.f32 v23, v21;
	v29 =	vld.idx.msk [tilespmem:v20+s23+$0x0], $0xffff;
	v20 =	vsel vm15, $0x1, v1  }
0x19a: {  	v31 =	vsub.f32 v22, v18;
	v25 =	vtrunc.f32 v19;
	v19 =	vld.idx.msk [tilespmem:v27+s23+$0x0], $0xffff;
	v30 =	vadd.s32 v20, v16  }
0x19b: {  	v26 =	vmul.f32 v26, v26;
	v17 =	vsub.f32 v24, v17;
	v24 =	vmul.f32 v21, v21;
	v18 =	vld.idx.msk [tilespmem:v28+s23+$0x0], $0xffff  }
0x19c: {  	v21 =	vmul.f32 v31, v31;
	v12 =	vcvt.f32.s32 v25;
	v20 =	vld.idx.msk [tilespmem:v13+s21+$0x0], $0xffff  }
0x19d: {  	v25 =	vmul.f32 $1.000000000e+01, v6;
	v28 =	vmul.f32 $1.000000000e+01, v9;
	v23 =	vld.idx.msk [tilespmem:v11+s21+$0x0], $0xffff  }
0x19e: {  	v16 =	vmul.f32 $1.000000000e+01, v2;
	v27 =	vmul.f32 $1.000000000e+01, v10;
	v22 =	vld.idx.msk [tilespmem:v14+s21+$0x0], $0xffff  }
0x19f: {  	p0 =	por !p0, !p0;
	s22 =	simm.s32 $0x8;
	s20 =	simm.s32 $0x100;
	v29 =	vmul.f32 v29, v26;
	v26 =	vmul.f32 v17, v17;
	v17 =	vld.idx.msk [tilespmem:v30+s23+$0x0], $0xffff  }
.LBB2_28:
0x1a0: {  	s26 =	simm.s32 $0x1  }
0x1a1: {  	v25 =	vadd.f32 $5.000000000e-01, v25;
	v30 =	vld [tilespmem:s0+$0x0];
	v3 =	vadd.f32 v29, v3;
	v19 =	vmul.f32 v19, v26;
	s0 =	smov.u32 s29;
	s26 =	simm.s32 @!p0 $0x0  }
0x1a2: {  	v26 =	vadd.f32 $5.000000000e-01, v27;
	v27 =	vadd.f32 $5.000000000e-01, v28;
	s20 =	sadd.s32 $0x80, s20;
	vm0 =	vgt.f32 v8, v20;
	s26 =	sshll.u32 s26, $0x6;
	v20 =	vld.idx.msk [tilespmem:v12+s21+$0x0], $0xffff  }
0x1a3: {  	v28 =	vsel vm0, $0x1, v1;
	v18 =	vmul.f32 v18, v24;
	v3 =	vadd.f32 v19, v3;
	s26 =	sadd.s32 s26, s20;
	v29 =	vld [tilespmem:s2+$0x0];
	s2 =	smov.u32 s3  }
0x1a4: {  	v19 =	vtrunc.f32 v26;
	v26 =	vadd.s32 v28, v13;
	vm0 =	vgt.f32 v7, v22;
	s28 =	sor.u32 $0xB0, s26;
	v24 =	vld [tilespmem:s1+$0x0];
	s1 =	smov.u32 s19  }
0x1a5: {  	v28 =	vsel vm0, $0x1, v1;
	v17 =	vmul.f32 v17, v21;
	s29 =	sor.u32 $0xA0, s26;
	v3 =	vadd.f32 v18, v3;
	v22 =	vld [tilespmem:s28+$0x8000]  }
0x1a6: {  	v13 =	vcvt.f32.s32 v19;
	s3 =	sor.u32 $0x90, s26;
	v18 =	vadd.s32 v28, v14;
	vm0 =	vgt.f32 v4, v23;
	v21 =	vld [tilespmem:s29+$0x8000]  }
0x1a7: {  	s19 =	sor.u32 $0x80, s26;
	v14 =	vtrunc.f32 v27;
	v19 =	vsel vm0, $0x1, v1;
	v3 =	vadd.f32 v17, v3;
	v23 =	vld [tilespmem:s3+$0x8000]  }
0x1a8: {  	s22 =	sadd.s32 $0x4, s22;
	v14 =	vcvt.f32.s32 v14;
	v17 =	vadd.s32 v19, v11;
	vm0 =	vgt.f32 v5, v20;
	v31 =	vld [tilespmem:s19+$0x8000]  }
0x1a9: {  	v16 =	vadd.f32 $5.000000000e-01, v16;
	p1 =	slt.u32 s22, $0x3FC;
	v11 =	vtrunc.f32 v25;
	v19 =	vsel vm0, $0x1, v1;
	v26 =	vld.idx.msk [tilespmem:v26+s23+$0x0], $0xffff  }
0x1aa: {  	v11 =	vcvt.f32.s32 v11;
	v33 =	vadd.s32 v19, v12;
	v32 =	vld [tilespmem:s31+$0x0];
	s31 =	smov.u32 s28  }
0x1ab: {  	v12 =	vtrunc.f32 v16;
	v24 =	vsub.f32 v24, v8;
	v8 =	vmov v10;
	v19 =	vld.idx.msk [tilespmem:v18+s23+$0x0], $0xffff  }
.Ltmp13:
0x1ac: {  	v15 =	vsub.f32 v15, v5;
	v5 =	vmovc v2;
	v16 =	vmul.f32 $1.000000000e+01, v22;
	v12 =	vcvt.f32.s32 v12;
	v2 =	vmovc v22;
	v20 =	vld.idx.msk [tilespmem:v13+s21+$0x0], $0xffff;
	(pc) =	sbr.rel @p1 .LBB2_28-.Ltmp13, $4  }
0x1ad: {  	v25 =	vmul.f32 $1.000000000e+01, v21;
	v34 =	vmul.f32 v24, v24;
	v24 =	vsub.f32 v29, v7;
	v7 =	vmovc v9;
	v18 =	vld.idx.msk [tilespmem:v17+s23+$0x0], $0xffff  }
0x1ae: {  	v30 =	vsub.f32 v30, v4;
	v4 =	vmovc v6;
	v6 =	vmovc v21;
	v28 =	vmul.f32 $1.000000000e+01, v23;
	v27 =	vmul.f32 $1.000000000e+01, v31;
	v22 =	vld.idx.msk [tilespmem:v14+s21+$0x0], $0xffff  }
0x1af: {  	v9 =	vmovc v23;
	v10 =	vmov v31;
	v29 =	vmul.f32 v26, v34;
	v26 =	vmul.f32 v24, v24;
	v17 =	vld.idx.msk [tilespmem:v33+s23+$0x0], $0xffff  }
0x1b0: {  	p0 =	por !p0, !p0;
	v21 =	vmul.f32 v15, v15;
	v24 =	vmul.f32 v30, v30;
	v15 =	vmov v32;
	v23 =	vld.idx.msk [tilespmem:v11+s21+$0x0], $0xffff  }
0x1b1: {  	v27 =	vadd.f32 $5.000000000e-01, v27;
	_ =	sdelay $0x1  }
0x1b2: {  	v28 =	vadd.f32 $5.000000000e-01, v28;
	v27 =	vtrunc.f32 v27  }
0x1b3: {  	v27 =	vcvt.f32.s32 v27  }
0x1b4: {  	v25 =	vadd.f32 $5.000000000e-01, v25;
	v28 =	vtrunc.f32 v28  }
0x1b5: {  	vm0 =	vgt.f32 v8, v20;
	v38 =	vld.idx.msk [tilespmem:v12+s21+$0x0], $0xffff;
	v37 =	vcvt.f32.s32 v28  }
0x1b6: {  	v16 =	vadd.f32 $5.000000000e-01, v16;
	v30 =	vld [tilespmem:s0+$0x0];
	v39 =	vsel vm0, $0x1, v1;
	v25 =	vtrunc.f32 v25  }
0x1b7: {  	v41 =	vld [tilespmem:s1+$0x0];
	v13 =	vadd.s32 v39, v13;
	vm9 =	vgt.f32 v7, v22;
	v40 =	vcvt.f32.s32 v25  }
0x1b8: {  	v44 =	vld [tilespmem:s2+$0x0];
	v16 =	vtrunc.f32 v16;
	v42 =	vsel vm9, $0x1, v1  }
0x1b9: {  	v16 =	vcvt.f32.s32 v16;
	v14 =	vadd.s32 v42, v14;
	vm10 =	vgt.f32 v4, v23;
	v43 =	vld.idx.msk [tilespmem:v27+s21+$0x0], $0xffff  }
0x1ba: {  	v3 =	vadd.f32 v29, v3;
	v19 =	vmul.f32 v19, v26;
	v55 =	vld [tilespmem:s19+$0x0];
	v45 =	vsel vm10, $0x1, v1  }
0x1bb: {  	vm11 =	vgt.f32 v5, v38;
	v11 =	vadd.s32 v45, v11;
	v46 =	vld.idx.msk [tilespmem:v37+s21+$0x0], $0xffff  }
0x1bc: {  	v18 =	vmul.f32 v18, v24;
	v3 =	vadd.f32 v19, v3;
	v47 =	vsel vm11, $0x1, v1;
	v13 =	vld.idx.msk [tilespmem:v13+s23+$0x0], $0xffff  }
0x1bd: {  	v50 =	vsub.f32 v15, v5;
	v8 =	vsub.f32 v41, v8;
	v48 =	vadd.s32 v47, v12;
	v49 =	vld.idx.msk [tilespmem:v40+s21+$0x0], $0xffff  }
0x1be: {  	v17 =	vmul.f32 v17, v21;
	v3 =	vadd.f32 v18, v3;
	v14 =	vld.idx.msk [tilespmem:v14+s23+$0x0], $0xffff;
	vm12 =	vgt.f32 v10, v43  }
0x1bf: {  	v51 =	vsub.f32 v44, v7;
	v8 =	vmul.f32 v8, v8;
	v52 =	vld.idx.msk [tilespmem:v16+s21+$0x0], $0xffff;
	v53 =	vsel vm12, $0x1, v1  }
0x1c0: {  	v3 =	vadd.f32 v17, v3;
	v11 =	vld.idx.msk [tilespmem:v11+s23+$0x0], $0xffff;
	vm13 =	vgt.f32 v9, v46;
	v17 =	vadd.s32 v53, v27  }
0x1c1: {  	v54 =	vsub.f32 v30, v4;
	v8 =	vmul.f32 v13, v8;
	v19 =	vsel vm13, $0x1, v1  }
0x1c2: {  	v7 =	vmul.f32 v51, v51;
	v12 =	vld.idx.msk [tilespmem:v48+s23+$0x0], $0xffff;
	vm14 =	vgt.f32 v6, v49;
	v19 =	vadd.s32 v19, v37  }
0x1c3: {  	v4 =	vmul.f32 v54, v54;
	v3 =	vadd.f32 v8, v3;
	v8 =	vld [tilespmem:s3+$0x0];
	v56 =	vsel vm14, $0x1, v1  }
0x1c4: {  	v57 =	vld [tilespmem:s29+$0x0];
	v7 =	vmul.f32 v14, v7;
	vm15 =	vgt.f32 v2, v52;
	v14 =	vadd.s32 v56, v40  }
0x1c5: {  	v10 =	vsub.f32 v55, v10;
	v4 =	vmul.f32 v11, v4;
	v11 =	vsel vm15, $0x1, v1;
	v58 =	vld.idx.msk [tilespmem:v17+s23+$0x0], $0xffff  }
0x1c6: {  	v59 =	vld [tilespmem:s31+$0x0];
	v5 =	vmul.f32 v50, v50;
	v3 =	vadd.f32 v7, v3;
	v11 =	vadd.s32 v11, v16  }
0x1c7: {  	v10 =	vmul.f32 v10, v10;
	v61 =	vld.idx.msk [tilespmem:v19+s23+$0x0], $0xffff  }
0x1c8: {  	v60 =	vmul.f32 v12, v5;
	v3 =	vadd.f32 v4, v3;
	v8 =	vsub.f32 v8, v9  }
0x1c9: {  	v63 =	vsub.f32 v57, v6;
	v62 =	vld.idx.msk [tilespmem:v14+s23+$0x0], $0xffff  }
0x1ca: {  	v3 =	vadd.f32 v60, v3;
	v8 =	vmul.f32 v8, v8;
	v7 =	vmul.f32 v58, v10  }
0x1cb: {  	v2 =	vsub.f32 v59, v2;
	v9 =	vld.idx.msk [tilespmem:v11+s23+$0x0], $0xffff  }
0x1cc: {  	v6 =	vmul.f32 v63, v63;
	v5 =	vmul.f32 v61, v8;
	v3 =	vadd.f32 v7, v3;
	_ =	sdelay $0x1  }
0x1cd: {  	v2 =	vmul.f32 v2, v2;
	v4 =	vmul.f32 v62, v6;
	v3 =	vadd.f32 v5, v3;
	_ =	sdelay $0x1  }
0x1ce: {  	v2 =	vmul.f32 v9, v2;
	v3 =	vadd.f32 v4, v3  }
0x1cf: {  	s0 =	simm.s32 $0x80  }
0x1d0: {  	s1 =	simm.s32 $0x10;
	s2 =	simm.s32 $0x180;
	s3 =	sadd.s32 $0x0, s15;
	v10 =	vadd.f32 v2, v3  }
.LBB2_30:
0x1d1: {  	[tilespmem:s0], [sflag:$0x2] =	stream.linear.gather [hbm4b:s3+s4], $0x80, $0x38;
	[tilespmem:$0x10180] =	vst v63  }
0x1d2: {  	s3 =	smov.u32 s1;
	s0 =	smov.u32 s2;
	p0 =	sne.s32 s1, $0x7F0  }
.Ltmp14:
0x1d3: {  	s1 =	sadd.s32 $0x10, s1;
	(pc) =	sbr.rel @p0 .LBB2_30-.Ltmp14, $2  }
0x1d4: {  	_ =	sdelay $0x2  }
0x1d5: {  	s2 =	sadd.s32 $0x100, s2;
	s3 =	sadd.s32 s3, s15  }
0x1d6: {  	[tilespmem:s0], [sflag:$0x2] =	stream.linear.gather [hbm4b:s3+s4], $0x80, $0x38;
	[tilespmem:$0x10180] =	vst v63  }
0x1d7: {  	s0 =	simm.s32 $0x8080  }
0x1d8: {  	s1 =	simm.s32 $0x10;
	s3 =	sadd.s32 $0x0, s16;
	s2 =	simm.s32 $0x8180  }
.LBB2_32:
0x1d9: {  	[tilespmem:s0], [sflag:$0x4] =	stream.linear.gather [hbm4b:s3+s4], $0x80, $0x38;
	[tilespmem:$0x10180] =	vst v63  }
0x1da: {  	s3 =	smov.u32 s1;
	s0 =	smov.u32 s2;
	p0 =	sne.s32 s1, $0x7F0  }
.Ltmp15:
0x1db: {  	s1 =	sadd.s32 $0x10, s1;
	(pc) =	sbr.rel @p0 .LBB2_32-.Ltmp15, $2  }
0x1dc: {  	_ =	sdelay $0x2  }
0x1dd: {  	s2 =	sadd.s32 $0x100, s2;
	s3 =	sadd.s32 s3, s16  }
0x1de: {  	[tilespmem:s0], [sflag:$0x4] =	stream.linear.gather [hbm4b:s3+s4], $0x80, $0x38;
	[tilespmem:$0x10180] =	vst v63  }
0x1df: {  	_ =	swait.ge [sflag:s24], $0x4000  }
0x1e0: {  	[sflag:s24] =	ssyncset.done $0x0  }
0x1e1: {  	[sflag:s24] =	ssyncadd.s32 $0xFFFFC000  }
0x1e2: {  	s26 =	simm.s32 $0x0;
	_ =	swait.ge [sflag:s25], $0x4000  }
0x1e3: {  	s1 =	sand.u32 $0x40, s26;
	s0 =	sand.u32 $0x7F00, s26;
	[sflag:s25] =	ssyncset.done $0x0  }
0x1e4: {  	s1 =	sor.u32 s1, s0;
	[sflag:s25] =	ssyncadd.s32 $0xFFFFC000  }
0x1e5: {  	v14 =	vld [tilespmem:s1+$0x8000];
	_ =	sdelay $0x1  }
0x1e6: {  	v16 =	vld [tilespmem:s1+$0x8010]  }
0x1e7: {  	v19 =	vld [tilespmem:s1+$0x8020]  }
0x1e8: {  	v18 =	vld [tilespmem:s1+$0x8030]  }
0x1e9: {  	v2 =	vmul.f32 $1.000000000e+01, v14;
	_ =	sdelay $0x1  }
0x1ea: {  	v3 =	vmul.f32 $1.000000000e+01, v16;
	v2 =	vadd.f32 $5.000000000e-01, v2  }
0x1eb: {  	s28 =	simm.s32 $0x80;
	s2 =	simm.s32 $0x40;
	v4 =	vmul.f32 $1.000000000e+01, v19  }
0x1ec: {  	s2 =	sand.u32 $0x40, s2;
	s0 =	sand.u32 $0x7F00, s28;
	v6 =	vmul.f32 $1.000000000e+01, v18;
	v3 =	vadd.f32 $5.000000000e-01, v3;
	v2 =	vtrunc.f32 v2  }
0x1ed: {  	s0 =	sor.u32 s2, s0;
	v4 =	vadd.f32 $5.000000000e-01, v4;
	v2 =	vcvt.f32.s32 v2  }
0x1ee: {  	v5 =	vld [tilespmem:s0+$0x8030];
	v7 =	vadd.f32 $5.000000000e-01, v6;
	v3 =	vtrunc.f32 v3  }
0x1ef: {  	v20 =	vld [tilespmem:s1+$0x30];
	v8 =	vcvt.f32.s32 v3;
	v3 =	vtrunc.f32 v4  }
0x1f0: {  	v11 =	vcvt.f32.s32 v3;
	v3 =	vtrunc.f32 v7;
	v7 =	vld [tilespmem:s0+$0x8000]  }
0x1f1: {  	v4 =	vld [tilespmem:s0+$0x8020]  }
0x1f2: {  	v26 =	vld [tilespmem:s1+$0x0];
	v17 =	vcvt.f32.s32 v3  }
0x1f3: {  	v3 =	vld.idx.msk [tilespmem:v2+s21+$0x0], $0xffff  }
0x1f4: {  	v6 =	vld [tilespmem:s0+$0x8010]  }
0x1f5: {  	v9 =	vld.idx.msk [tilespmem:v8+s21+$0x0], $0xffff;
	v12 =	vmul.f32 $1.000000000e+01, v7  }
0x1f6: {  	v25 =	vmul.f32 $1.000000000e+01, v4;
	v13 =	vld.idx.msk [tilespmem:v11+s21+$0x0], $0xffff  }
0x1f7: {  	s29 =	simm.s32 $0x100;
	s31 =	simm.s32 $0x80;
	v24 =	vld [tilespmem:s1+$0x10];
	v15 =	vmul.f32 $1.000000000e+01, v5;
	v12 =	vadd.f32 $5.000000000e-01, v12  }
0x1f8: {  	s3 =	sand.u32 $0x40, s31;
	s2 =	sand.u32 $0x7F00, s29;
	v26 =	vsub.f32 v26, v14;
	v25 =	vadd.f32 $5.000000000e-01, v25;
	v22 =	vld.idx.msk [tilespmem:v17+s21+$0x0], $0xffff;
	vm0 =	vgt.f32 v14, v3  }
0x1f9: {  	s2 =	sor.u32 s3, s2;
	v21 =	vld [tilespmem:s1+$0x20];
	v12 =	vtrunc.f32 v12;
	v3 =	vmul.f32 $1.000000000e+01, v6;
	v23 =	vsel vm0, $0x1, v1  }
0x1fa: {  	v12 =	vcvt.f32.s32 v12;
	vm0 =	vgt.f32 v16, v9;
	v23 =	vadd.s32 v23, v2;
	v2 =	vld [tilespmem:s2+$0x8030]  }
0x1fb: {  	v9 =	vadd.f32 $5.000000000e-01, v3;
	v27 =	vsel vm0, $0x1, v1;
	v3 =	vld [tilespmem:s2+$0x8020];
	vm0 =	vgt.f32 v19, v13  }
0x1fc: {  	v16 =	vsub.f32 v24, v16;
	v27 =	vadd.s32 v27, v8;
	v8 =	vld [tilespmem:s2+$0x8010];
	v28 =	vsel vm0, $0x1, v1  }
0x1fd: {  	vm0 =	vgt.f32 v18, v22;
	v22 =	vadd.f32 $5.000000000e-01, v15;
	v15 =	vld [tilespmem:s0+$0x30];
	v13 =	vtrunc.f32 v9  }
0x1fe: {  	v20 =	vsub.f32 v20, v18;
	v9 =	vld [tilespmem:s2+$0x8000];
	v28 =	vadd.s32 v28, v11;
	v13 =	vcvt.f32.s32 v13  }
0x1ff: {  	v32 =	vmul.f32 v16, v16;
	v11 =	vtrunc.f32 v25;
	v25 =	vsel vm0, $0x1, v1;
	v23 =	vld.idx.msk [tilespmem:v23+s23+$0x0], $0xffff  }
0x200: {  	v16 =	vld [tilespmem:s0+$0x20];
	v11 =	vcvt.f32.s32 v11;
	v25 =	vadd.s32 v25, v17;
	v22 =	vtrunc.f32 v22  }
0x201: {  	v24 =	vsub.f32 v21, v19;
	v14 =	vcvt.f32.s32 v22;
	v27 =	vld.idx.msk [tilespmem:v27+s23+$0x0], $0xffff  }
0x202: {  	v26 =	vmul.f32 v26, v26;
	v20 =	vmul.f32 v20, v20;
	v29 =	vld.idx.msk [tilespmem:v12+s21+$0x0], $0xffff  }
0x203: {  	v24 =	vmul.f32 v24, v24;
	v17 =	vmul.f32 $1.000000000e+01, v2;
	v18 =	vld.idx.msk [tilespmem:v28+s23+$0x0], $0xffff  }
0x204: {  	v28 =	vmul.f32 $1.000000000e+01, v9;
	v22 =	vld.idx.msk [tilespmem:v13+s21+$0x0], $0xffff;
	v26 =	vmul.f32 v23, v26  }
0x205: {  	v30 =	vmul.f32 $1.000000000e+01, v3;
	v31 =	vmul.f32 $1.000000000e+01, v8;
	v19 =	vld.idx.msk [tilespmem:v25+s23+$0x0], $0xffff  }
0x206: {  	v21 =	vld.idx.msk [tilespmem:v11+s21+$0x0], $0xffff;
	v28 =	vadd.f32 $5.000000000e-01, v28;
	v25 =	vadd.f32 v26, v10;
	v26 =	vmul.f32 v27, v32  }
0x207: {  	s19 =	simm.s32 $0xC0;
	s3 =	simm.s32 $0x180;
	s1 =	simm.s32 $0x8;
	vm0 =	vgt.f32 v7, v29;
	v23 =	vadd.f32 $5.000000000e-01, v30;
	v27 =	vadd.f32 $5.000000000e-01, v31;
	v10 =	vld.idx.msk [tilespmem:v14+s21+$0x0], $0xffff  }
.LBB2_34:
0x208: {  	s20 =	sand.u32 $0x40, s19;
	s22 =	sand.u32 $0x7F00, s3;
	v29 =	vsel vm0, $0x1, v1;
	v30 =	vld [tilespmem:s0+$0x10];
	v25 =	vadd.f32 v26, v25;
	v18 =	vmul.f32 v18, v24  }
0x209: {  	vm0 =	vgt.f32 v6, v22;
	v24 =	vtrunc.f32 v28;
	v26 =	vld [tilespmem:s0+$0x0];
	v28 =	vadd.s32 v29, v12;
	s0 =	smov.u32 s2;
	s2 =	sor.u32 s20, s22  }
0x20a: {  	v29 =	vsel vm0, $0x1, v1;
	v19 =	vmul.f32 v19, v20;
	v22 =	vld [tilespmem:s2+$0x8030];
	v18 =	vadd.f32 v18, v25  }
0x20b: {  	v12 =	vcvt.f32.s32 v24;
	v24 =	vadd.s32 v29, v13;
	vm0 =	vgt.f32 v4, v21;
	v20 =	vld [tilespmem:s2+$0x8020]  }
0x20c: {  	v13 =	vtrunc.f32 v27;
	v25 =	vsel vm0, $0x1, v1;
	v21 =	vld [tilespmem:s2+$0x8010];
	v27 =	vadd.f32 v19, v18  }
0x20d: {  	v13 =	vcvt.f32.s32 v13;
	v18 =	vadd.s32 v25, v11;
	vm0 =	vgt.f32 v5, v10;
	v29 =	vld [tilespmem:s2+$0x8000]  }
0x20e: {  	v17 =	vadd.f32 $5.000000000e-01, v17;
	v10 =	vtrunc.f32 v23;
	v23 =	vsel vm0, $0x1, v1;
	v19 =	vld.idx.msk [tilespmem:v28+s23+$0x0], $0xffff  }
0x20f: {  	s1 =	sadd.s32 $0x4, s1;
	v11 =	vcvt.f32.s32 v10;
	v23 =	vadd.s32 v23, v14;
	v10 =	vld [tilespmem:s0+$0x30]  }
0x210: {  	p0 =	slt.u32 s1, $0x3FC;
	v14 =	vtrunc.f32 v17;
	v25 =	vsub.f32 v26, v7;
	v7 =	vmov v9;
	v26 =	vld.idx.msk [tilespmem:v24+s23+$0x0], $0xffff  }
0x211: {  	v15 =	vsub.f32 v15, v5;
	v5 =	vmovc v2;
	v17 =	vmul.f32 $1.000000000e+01, v22;
	v14 =	vcvt.f32.s32 v14;
	v2 =	vmovc v22;
	v31 =	vld.idx.msk [tilespmem:v12+s21+$0x0], $0xffff  }
0x212: {  	v28 =	vmul.f32 $1.000000000e+01, v20;
	v34 =	vmul.f32 v25, v25;
	v24 =	vsub.f32 v30, v6;
	v6 =	vmovc v8;
	v18 =	vld.idx.msk [tilespmem:v18+s23+$0x0], $0xffff  }
.Ltmp16:
0x213: {  	v16 =	vsub.f32 v16, v4;
	v4 =	vmovc v3;
	v3 =	vmovc v20;
	v32 =	vmul.f32 $1.000000000e+01, v21;
	v30 =	vmul.f32 $1.000000000e+01, v29;
	v22 =	vld.idx.msk [tilespmem:v13+s21+$0x0], $0xffff;
	(pc) =	sbr.rel @p0 .LBB2_34-.Ltmp16, $4  }
0x214: {  	v8 =	vmovc v21;
	v33 =	vmul.f32 v24, v24;
	v9 =	vmov v29;
	v25 =	vmul.f32 v19, v34;
	v19 =	vld.idx.msk [tilespmem:v23+s23+$0x0], $0xffff  }
0x215: {  	v20 =	vmul.f32 v15, v15;
	v24 =	vmul.f32 v16, v16;
	v15 =	vmov v10;
	v21 =	vld.idx.msk [tilespmem:v11+s21+$0x0], $0xffff  }
0x216: {  	v23 =	vadd.f32 $5.000000000e-01, v28;
	v25 =	vadd.f32 v25, v27;
	v26 =	vmul.f32 v26, v33;
	v16 =	vld [tilespmem:s0+$0x20]  }
0x217: {  	s3 =	sadd.s32 $0x80, s3;
	s19 =	sadd.s32 $0x40, s19;
	v28 =	vadd.f32 $5.000000000e-01, v30;
	v27 =	vadd.f32 $5.000000000e-01, v32;
	vm0 =	vgt.f32 v7, v31;
	v10 =	vld.idx.msk [tilespmem:v14+s21+$0x0], $0xffff  }
0x218: {  	_ = 	snop  }
0x219: {  	v28 =	vtrunc.f32 v28  }
0x21a: {  	v28 =	vcvt.f32.s32 v28  }
0x21b: {  	v27 =	vtrunc.f32 v27  }
0x21c: {  	v27 =	vcvt.f32.s32 v27  }
0x21d: {  	v29 =	vsel vm0, $0x1, v1;
	v23 =	vtrunc.f32 v23;
	v17 =	vadd.f32 $5.000000000e-01, v17  }
0x21e: {  	vm9 =	vgt.f32 v6, v22;
	v12 =	vadd.s32 v29, v12;
	v36 =	vcvt.f32.s32 v23  }
0x21f: {  	v37 =	vld [tilespmem:s0+$0x0];
	v38 =	vsel vm9, $0x1, v1;
	v17 =	vtrunc.f32 v17  }
0x220: {  	v13 =	vadd.s32 v38, v13;
	v17 =	vcvt.f32.s32 v17;
	v39 =	vld.idx.msk [tilespmem:v28+s21+$0x0], $0xffff  }
0x221: {  	v40 =	vld [tilespmem:s0+$0x10];
	vm10 =	vgt.f32 v4, v21  }
0x222: {  	v25 =	vadd.f32 v26, v25;
	v18 =	vmul.f32 v18, v24;
	v41 =	vsel vm10, $0x1, v1;
	v42 =	vld.idx.msk [tilespmem:v27+s21+$0x0], $0xffff  }
0x223: {  	v45 =	vsub.f32 v15, v5;
	v11 =	vadd.s32 v41, v11;
	vm11 =	vgt.f32 v5, v10;
	v12 =	vld.idx.msk [tilespmem:v12+s23+$0x0], $0xffff  }
0x224: {  	v19 =	vmul.f32 v19, v20;
	v18 =	vadd.f32 v18, v25;
	v43 =	vsel vm11, $0x1, v1;
	v44 =	vld.idx.msk [tilespmem:v36+s21+$0x0], $0xffff  }
0x225: {  	v7 =	vsub.f32 v37, v7;
	v14 =	vadd.s32 v43, v14;
	v13 =	vld.idx.msk [tilespmem:v13+s23+$0x0], $0xffff;
	vm12 =	vgt.f32 v9, v39  }
0x226: {  	v49 =	vsub.f32 v16, v4;
	v46 =	vsub.f32 v40, v6;
	v47 =	vld.idx.msk [tilespmem:v17+s21+$0x0], $0xffff;
	v48 =	vsel vm12, $0x1, v1  }
0x227: {  	v51 =	vld [tilespmem:s2+$0x0];
	v7 =	vmul.f32 v7, v7;
	vm13 =	vgt.f32 v8, v42;
	v50 =	vadd.s32 v48, v28  }
0x228: {  	v18 =	vadd.f32 v19, v18;
	v6 =	vmul.f32 v46, v46;
	v11 =	vld.idx.msk [tilespmem:v11+s23+$0x0], $0xffff;
	v52 =	vsel vm13, $0x1, v1  }
0x229: {  	v53 =	vld [tilespmem:s2+$0x10];
	v7 =	vmul.f32 v12, v7;
	vm14 =	vgt.f32 v3, v44;
	v12 =	vadd.s32 v52, v27  }
0x22a: {  	v4 =	vmul.f32 v49, v49;
	v14 =	vld.idx.msk [tilespmem:v14+s23+$0x0], $0xffff;
	v6 =	vmul.f32 v13, v6;
	v54 =	vsel vm14, $0x1, v1  }
0x22b: {  	v55 =	vld [tilespmem:s2+$0x20];
	v7 =	vadd.f32 v7, v18;
	v18 =	vadd.s32 v54, v36;
	vm15 =	vgt.f32 v2, v47  }
0x22c: {  	v5 =	vmul.f32 v45, v45;
	v59 =	vsub.f32 v51, v9;
	v57 =	vsel vm15, $0x1, v1;
	v56 =	vld.idx.msk [tilespmem:v50+s23+$0x0], $0xffff  }
0x22d: {  	v58 =	vld [tilespmem:s2+$0x30];
	v4 =	vmul.f32 v11, v4;
	v6 =	vadd.f32 v6, v7;
	v11 =	vadd.s32 v57, v17  }
0x22e: {  	v61 =	vsub.f32 v53, v8;
	v60 =	vld.idx.msk [tilespmem:v12+s23+$0x0], $0xffff  }
0x22f: {  	v9 =	vmul.f32 v59, v59;
	v5 =	vmul.f32 v14, v5;
	v4 =	vadd.f32 v4, v6  }
0x230: {  	v3 =	vsub.f32 v55, v3;
	v62 =	vld.idx.msk [tilespmem:v18+s23+$0x0], $0xffff  }
0x231: {  	v8 =	vmul.f32 v61, v61;
	v4 =	vadd.f32 v5, v4;
	v7 =	vmul.f32 v56, v9  }
0x232: {  	v2 =	vsub.f32 v58, v2;
	v63 =	vld.idx.msk [tilespmem:v11+s23+$0x0], $0xffff  }
0x233: {  	v3 =	vmul.f32 v3, v3;
	v6 =	vmul.f32 v60, v8;
	v4 =	vadd.f32 v7, v4;
	_ =	sdelay $0x1  }
0x234: {  	v2 =	vmul.f32 v2, v2;
	v3 =	vmul.f32 v62, v3;
	v4 =	vadd.f32 v6, v4;
	_ =	sdelay $0x1  }
0x235: {  	v2 =	vmul.f32 v63, v2;
	v3 =	vadd.f32 v3, v4  }
0x236: {  	s0 =	simm.s32 $0x0  }
0x237: {  	s1 =	simm.s32 $0x10;
	s3 =	sadd.s32 $0x0, s17;
	s2 =	simm.s32 $0x100;
	v2 =	vadd.f32 v2, v3  }
.LBB2_36:
0x238: {  	[tilespmem:s0], [sflag:$0x1] =	stream.linear.gather [hbm4b:s3+s4], $0x80, $0x38;
	[tilespmem:$0x10180] =	vst v63  }
0x239: {  	s3 =	smov.u32 s1;
	s0 =	smov.u32 s2;
	p0 =	sne.s32 s1, $0x7F0  }
.Ltmp17:
0x23a: {  	s1 =	sadd.s32 $0x10, s1;
	(pc) =	sbr.rel @p0 .LBB2_36-.Ltmp17, $2  }
0x23b: {  	_ =	sdelay $0x2  }
0x23c: {  	s2 =	sadd.s32 $0x100, s2;
	s3 =	sadd.s32 s3, s17  }
0x23d: {  	[tilespmem:s0], [sflag:$0x1] =	stream.linear.gather [hbm4b:s3+s4], $0x80, $0x38;
	[tilespmem:$0x10180] =	vst v63  }
0x23e: {  	s0 =	simm.s32 $0x8000  }
0x23f: {  	s1 =	simm.s32 $0x10;
	s3 =	sadd.s32 $0x0, s18;
	s2 =	simm.s32 $0x8100  }
.LBB2_38:
0x240: {  	[tilespmem:s0], [sflag:$0x3] =	stream.linear.gather [hbm4b:s3+s4], $0x80, $0x38;
	[tilespmem:$0x10180] =	vst v63  }
0x241: {  	s3 =	smov.u32 s1;
	s0 =	smov.u32 s2;
	p0 =	sne.s32 s1, $0x7F0  }
.Ltmp18:
0x242: {  	s1 =	sadd.s32 $0x10, s1;
	(pc) =	sbr.rel @p0 .LBB2_38-.Ltmp18, $2  }
0x243: {  	_ =	sdelay $0x2  }
0x244: {  	s2 =	sadd.s32 $0x100, s2;
	s3 =	sadd.s32 s3, s18  }
0x245: {  	[tilespmem:s0], [sflag:$0x3] =	stream.linear.gather [hbm4b:s3+s4], $0x80, $0x38;
	[tilespmem:$0x10180] =	vst v63  }
0x246: {  	s1 =	simm.s32 $0x2  }
0x247: {  	_ =	swait.ge [sflag:s1], $0x4000  }
0x248: {  	p0 =	por $0x0, $0x0;
	s0 =	simm.s32 $0x1;
	[sflag:s1] =	ssyncset.done $0x0  }
0x249: {  	s26 =	simm.s32 $0x4;
	s0 =	simm.s32 @!p0 $0x0;
	[sflag:s1] =	ssyncadd.s32 $0xFFFFC000  }
0x24a: {  	s0 =	sshll.u32 s0, $0x6;
	_ =	swait.ge [sflag:s26], $0x4000  }
0x24b: {  	s0 =	sadd.s32 $0x0, s0;
	[sflag:s26] =	ssyncset.done $0x0  }
0x24c: {  	s19 =	sor.u32 $0x80, s0;
	[sflag:s26] =	ssyncadd.s32 $0xFFFFC000  }
0x24d: {  	s3 =	sor.u32 $0x90, s0;
	v15 =	vld [tilespmem:s19+$0x8000]  }
0x24e: {  	s20 =	sor.u32 $0xA0, s0;
	v17 =	vld [tilespmem:s3+$0x8000]  }
0x24f: {  	s22 =	sor.u32 $0xB0, s0;
	v18 =	vld [tilespmem:s20+$0x8000]  }
0x250: {  	v20 =	vld [tilespmem:s22+$0x8000];
	_ =	sdelay $0x1  }
0x251: {  	v3 =	vmul.f32 $1.000000000e+01, v15  }
0x252: {  	v4 =	vmul.f32 $1.000000000e+01, v17  }
0x253: {  	p0 =	por !p0, !p0;
	s0 =	simm.s32 $0x1;
	v5 =	vmul.f32 $1.000000000e+01, v18;
	v3 =	vadd.f32 $5.000000000e-01, v3  }
0x254: {  	s0 =	simm.s32 @!p0 $0x0;
	v6 =	vmul.f32 $1.000000000e+01, v20;
	v4 =	vadd.f32 $5.000000000e-01, v4  }
0x255: {  	s0 =	sshll.u32 s0, $0x6;
	v5 =	vadd.f32 $5.000000000e-01, v5;
	v3 =	vtrunc.f32 v3  }
0x256: {  	s28 =	sadd.s32 $0x80, s0;
	v8 =	vadd.f32 $5.000000000e-01, v6;
	v7 =	vtrunc.f32 v4;
	v3 =	vcvt.f32.s32 v3  }
0x257: {  	s1 =	sor.u32 $0x80, s28;
	v5 =	vtrunc.f32 v5;
	v9 =	vcvt.f32.s32 v7  }
0x258: {  	s0 =	sor.u32 $0xA0, s28;
	v11 =	vcvt.f32.s32 v5;
	v5 =	vtrunc.f32 v8;
	v8 =	vld [tilespmem:s1+$0x8000]  }
0x259: {  	s26 =	sor.u32 $0xB0, s28;
	v6 =	vld [tilespmem:s0+$0x8000]  }
0x25a: {  	s2 =	sor.u32 $0x90, s28;
	v4 =	vld [tilespmem:s26+$0x8000];
	v16 =	vcvt.f32.s32 v5  }
0x25b: {  	v7 =	vld [tilespmem:s2+$0x8000]  }
0x25c: {  	v5 =	vld.idx.msk [tilespmem:v3+s21+$0x0], $0xffff  }
0x25d: {  	v12 =	vmul.f32 $1.000000000e+01, v8;
	v10 =	vld.idx.msk [tilespmem:v9+s21+$0x0], $0xffff  }
0x25e: {  	v13 =	vld.idx.msk [tilespmem:v11+s21+$0x0], $0xffff  }
0x25f: {  	p0 =	por !p0, !p0;
	v21 =	vld [tilespmem:s22+$0x0];
	s22 =	simm.s32 $0x1;
	v24 =	vmul.f32 $1.000000000e+01, v6;
	v12 =	vadd.f32 $5.000000000e-01, v12  }
0x260: {  	s22 =	simm.s32 @!p0 $0x0;
	v19 =	vld.idx.msk [tilespmem:v16+s21+$0x0], $0xffff  }
0x261: {  	v22 =	vld [tilespmem:s20+$0x0];
	s28 =	sshll.u32 s22, $0x6;
	v14 =	vmul.f32 $1.000000000e+01, v4;
	v24 =	vadd.f32 $5.000000000e-01, v24;
	v12 =	vtrunc.f32 v12  }
0x262: {  	v25 =	vld [tilespmem:s3+$0x0];
	s20 =	sadd.s32 $0x100, s28;
	v12 =	vcvt.f32.s32 v12;
	vm0 =	vgt.f32 v15, v5;
	v5 =	vmul.f32 $1.000000000e+01, v7  }
0x263: {  	v26 =	vld [tilespmem:s19+$0x0];
	s3 =	sor.u32 $0xB0, s20;
	vm13 =	vgt.f32 v17, v10;
	vm14 =	vgt.f32 v18, v13;
	v23 =	vsel vm0, $0x1, v1  }
0x264: {  	s31 =	sor.u32 $0xA0, s20;
	v27 =	vsel vm13, $0x1, v1;
	v28 =	vsel vm14, $0x1, v1;
	v23 =	vadd.s32 v23, v3;
	v3 =	vld [tilespmem:s3+$0x8000]  }
0x265: {  	s29 =	sor.u32 $0x90, s20;
	vm15 =	vgt.f32 v20, v19;
	v19 =	vadd.f32 $5.000000000e-01, v14;
	v10 =	vadd.f32 $5.000000000e-01, v5;
	v5 =	vld [tilespmem:s31+$0x8000]  }
0x266: {  	v27 =	vadd.s32 v27, v9;
	v9 =	vld [tilespmem:s29+$0x8000];
	v28 =	vadd.s32 v28, v11;
	v11 =	vtrunc.f32 v24  }
0x267: {  	s19 =	sor.u32 $0x80, s20;
	v24 =	vsel vm15, $0x1, v1;
	v14 =	vcvt.f32.s32 v11;
	v11 =	vld [tilespmem:s26+$0x0];
	v13 =	vtrunc.f32 v10  }
0x268: {  	v26 =	vsub.f32 v26, v15;
	v30 =	vadd.s32 v24, v16;
	v10 =	vld [tilespmem:s19+$0x8000];
	v13 =	vcvt.f32.s32 v13  }
0x269: {  	v20 =	vsub.f32 v21, v20;
	v23 =	vld.idx.msk [tilespmem:v23+s23+$0x0], $0xffff  }
0x26a: {  	v21 =	vmul.f32 v26, v26;
	v24 =	vld.idx.msk [tilespmem:v12+s21+$0x0], $0xffff  }
0x26b: {  	v29 =	vtrunc.f32 v19;
	v20 =	vmul.f32 v20, v20;
	v16 =	vld.idx.msk [tilespmem:v27+s23+$0x0], $0xffff  }
0x26c: {  	v26 =	vsub.f32 v25, v17;
	v15 =	vcvt.f32.s32 v29;
	v19 =	vmul.f32 $1.000000000e+01, v3;
	v17 =	vld.idx.msk [tilespmem:v28+s23+$0x0], $0xffff  }
0x26d: {  	v31 =	vsub.f32 v22, v18;
	v27 =	vmul.f32 $1.000000000e+01, v5;
	v29 =	vmul.f32 $1.000000000e+01, v9;
	v18 =	vld.idx.msk [tilespmem:v30+s23+$0x0], $0xffff  }
0x26e: {  	v28 =	vmul.f32 $1.000000000e+01, v10;
	v25 =	vld.idx.msk [tilespmem:v13+s21+$0x0], $0xffff;
	v22 =	vmul.f32 v23, v21  }
0x26f: {  	p0 =	por !p0, !p0;
	s22 =	simm.s32 $0x8;
	s20 =	simm.s32 $0x100;
	v23 =	vmul.f32 v26, v26;
	v26 =	vld.idx.msk [tilespmem:v14+s21+$0x0], $0xffff;
	v21 =	vmul.f32 v31, v31  }
.LBB2_40:
0x270: {  	s26 =	simm.s32 $0x1  }
0x271: {  	v27 =	vadd.f32 $5.000000000e-01, v27;
	v30 =	vld [tilespmem:s0+$0x0];
	v2 =	vadd.f32 v22, v2;
	v16 =	vmul.f32 v16, v23;
	s0 =	smov.u32 s31;
	s26 =	simm.s32 @!p0 $0x0  }
0x272: {  	v22 =	vadd.f32 $5.000000000e-01, v28;
	v23 =	vadd.f32 $5.000000000e-01, v29;
	s20 =	sadd.s32 $0x80, s20;
	vm0 =	vgt.f32 v8, v24;
	s26 =	sshll.u32 s26, $0x6;
	v24 =	vld.idx.msk [tilespmem:v15+s21+$0x0], $0xffff  }
0x273: {  	v28 =	vsel vm0, $0x1, v1;
	v2 =	vadd.f32 v16, v2;
	v16 =	vmul.f32 v17, v21;
	s26 =	sadd.s32 s26, s20;
	v29 =	vld [tilespmem:s2+$0x0];
	s2 =	smov.u32 s29  }
0x274: {  	v17 =	vtrunc.f32 v22;
	v22 =	vadd.s32 v28, v12;
	vm0 =	vgt.f32 v7, v25;
	s28 =	sor.u32 $0xB0, s26;
	v21 =	vld [tilespmem:s1+$0x0];
	s1 =	smov.u32 s19  }
0x275: {  	v28 =	vsel vm0, $0x1, v1;
	s31 =	sor.u32 $0xA0, s26;
	v2 =	vadd.f32 v16, v2;
	v16 =	vmul.f32 v18, v20;
	v25 =	vld [tilespmem:s28+$0x8000]  }
0x276: {  	v12 =	vcvt.f32.s32 v17;
	s29 =	sor.u32 $0x90, s26;
	v17 =	vadd.s32 v28, v13;
	vm0 =	vgt.f32 v6, v26;
	v18 =	vld [tilespmem:s31+$0x8000]  }
0x277: {  	s19 =	sor.u32 $0x80, s26;
	v13 =	vtrunc.f32 v23;
	v23 =	vsel vm0, $0x1, v1;
	v2 =	vadd.f32 v16, v2;
	v20 =	vld [tilespmem:s29+$0x8000]  }
0x278: {  	s22 =	sadd.s32 $0x4, s22;
	v13 =	vcvt.f32.s32 v13;
	v23 =	vadd.s32 v23, v14;
	vm0 =	vgt.f32 v4, v24;
	v26 =	vld [tilespmem:s19+$0x8000]  }
0x279: {  	p1 =	slt.u32 s22, $0x3FC;
	v14 =	vtrunc.f32 v27;
	v16 =	vadd.f32 $5.000000000e-01, v19;
	v19 =	vsel vm0, $0x1, v1;
	v22 =	vld.idx.msk [tilespmem:v22+s23+$0x0], $0xffff  }
0x27a: {  	v14 =	vcvt.f32.s32 v14;
	v32 =	vadd.s32 v19, v15;
	v31 =	vld [tilespmem:s3+$0x0];
	s3 =	smov.u32 s28  }
0x27b: {  	v15 =	vtrunc.f32 v16;
	v21 =	vsub.f32 v21, v8;
	v8 =	vmov v10;
	v16 =	vld.idx.msk [tilespmem:v17+s23+$0x0], $0xffff  }
.Ltmp19:
0x27c: {  	v11 =	vsub.f32 v11, v4;
	v4 =	vmovc v3;
	v19 =	vmul.f32 $1.000000000e+01, v25;
	v15 =	vcvt.f32.s32 v15;
	v3 =	vmovc v25;
	v24 =	vld.idx.msk [tilespmem:v12+s21+$0x0], $0xffff;
	(pc) =	sbr.rel @p1 .LBB2_40-.Ltmp19, $4  }
0x27d: {  	v27 =	vmul.f32 $1.000000000e+01, v18;
	v33 =	vmul.f32 v21, v21;
	v21 =	vsub.f32 v29, v7;
	v7 =	vmovc v9;
	v17 =	vld.idx.msk [tilespmem:v23+s23+$0x0], $0xffff  }
0x27e: {  	v30 =	vsub.f32 v30, v6;
	v6 =	vmovc v5;
	v5 =	vmovc v18;
	v29 =	vmul.f32 $1.000000000e+01, v20;
	v28 =	vmul.f32 $1.000000000e+01, v26;
	v25 =	vld.idx.msk [tilespmem:v13+s21+$0x0], $0xffff  }
0x27f: {  	v9 =	vmovc v20;
	v23 =	vmul.f32 v21, v21;
	v10 =	vmov v26;
	v22 =	vmul.f32 v22, v33;
	v18 =	vld.idx.msk [tilespmem:v32+s23+$0x0], $0xffff  }
0x280: {  	p0 =	por !p0, !p0;
	v20 =	vmul.f32 v11, v11;
	v21 =	vmul.f32 v30, v30;
	v11 =	vmov v31;
	v26 =	vld.idx.msk [tilespmem:v14+s21+$0x0], $0xffff  }
0x281: {  	v28 =	vadd.f32 $5.000000000e-01, v28  }
0x282: {  	v29 =	vadd.f32 $5.000000000e-01, v29  }
0x283: {  	v27 =	vadd.f32 $5.000000000e-01, v27;
	v28 =	vtrunc.f32 v28  }
0x284: {  	v19 =	vadd.f32 $5.000000000e-01, v19;
	v29 =	vtrunc.f32 v29;
	v28 =	vcvt.f32.s32 v28  }
0x285: {  	v27 =	vtrunc.f32 v27;
	v29 =	vcvt.f32.s32 v29  }
0x286: {  	v30 =	vld.idx.msk [tilespmem:v15+s21+$0x0], $0xffff;
	v19 =	vtrunc.f32 v19;
	v27 =	vcvt.f32.s32 v27  }
0x287: {  	v31 =	vld [tilespmem:s0+$0x0];
	v19 =	vcvt.f32.s32 v19  }
0x288: {  	vm0 =	vgt.f32 v8, v24;
	v32 =	vld [tilespmem:s2+$0x0]  }
0x289: {  	v33 =	vld [tilespmem:s1+$0x0];
	v24 =	vsel vm0, $0x1, v1;
	vm0 =	vgt.f32 v7, v25  }
0x28a: {  	v12 =	vadd.s32 v24, v12;
	v24 =	vsel vm0, $0x1, v1;
	vm0 =	vgt.f32 v6, v26;
	v25 =	vld.idx.msk [tilespmem:v28+s21+$0x0], $0xffff  }
0x28b: {  	v13 =	vadd.s32 v24, v13;
	v24 =	vsel vm0, $0x1, v1;
	vm0 =	vgt.f32 v4, v30;
	v26 =	vld.idx.msk [tilespmem:v29+s21+$0x0], $0xffff  }
0x28c: {  	v14 =	vadd.s32 v24, v14;
	v24 =	vsel vm0, $0x1, v1;
	v30 =	vld.idx.msk [tilespmem:v27+s21+$0x0], $0xffff  }
0x28d: {  	v15 =	vadd.s32 v24, v15;
	v24 =	vld.idx.msk [tilespmem:v19+s21+$0x0], $0xffff  }
0x28e: {  	v34 =	vld [tilespmem:s3+$0x0]  }
0x28f: {  	v12 =	vld.idx.msk [tilespmem:v12+s23+$0x0], $0xffff;
	vm0 =	vgt.f32 v10, v25  }
0x290: {  	v13 =	vld.idx.msk [tilespmem:v13+s23+$0x0], $0xffff;
	v25 =	vsel vm0, $0x1, v1;
	vm0 =	vgt.f32 v9, v26  }
0x291: {  	v14 =	vld.idx.msk [tilespmem:v14+s23+$0x0], $0xffff;
	v25 =	vadd.s32 v25, v28;
	v26 =	vsel vm0, $0x1, v1;
	vm0 =	vgt.f32 v5, v30  }
0x292: {  	v15 =	vld.idx.msk [tilespmem:v15+s23+$0x0], $0xffff;
	v26 =	vadd.s32 v26, v29;
	v28 =	vsel vm0, $0x1, v1;
	vm0 =	vgt.f32 v3, v24  }
0x293: {  	v24 =	vld [tilespmem:s31+$0x0];
	v27 =	vadd.s32 v28, v27;
	v28 =	vsel vm0, $0x1, v1  }
0x294: {  	v29 =	vld [tilespmem:s29+$0x0];
	v19 =	vadd.s32 v28, v19  }
0x295: {  	v28 =	vld [tilespmem:s19+$0x0]  }
0x296: {  	v25 =	vld.idx.msk [tilespmem:v25+s23+$0x0], $0xffff  }
0x297: {  	v26 =	vld.idx.msk [tilespmem:v26+s23+$0x0], $0xffff  }
0x298: {  	v27 =	vld.idx.msk [tilespmem:v27+s23+$0x0], $0xffff  }
0x299: {  	v19 =	vld.idx.msk [tilespmem:v19+s23+$0x0], $0xffff;
	_ =	swait.ge [sflag:s24], $0x4000  }
0x29a: {  	[sflag:s24] =	ssyncset.done $0x0  }
0x29b: {  	[sflag:s24] =	ssyncadd.s32 $0xFFFFC000  }
0x29c: {  	v2 =	vadd.f32 v22, v2;
	v16 =	vmul.f32 v16, v23;
	s19 =	simm.s32 $0x0;
	_ =	swait.ge [sflag:s25], $0x4000  }
0x29d: {  	s20 =	sand.u32 $0x40, s19;
	s0 =	sand.u32 $0x7F00, s19;
	[sflag:s25] =	ssyncset.done $0x0  }
0x29e: {  	v2 =	vadd.f32 v16, v2;
	v16 =	vmul.f32 v17, v21;
	s0 =	sor.u32 s20, s0;
	[sflag:s25] =	ssyncadd.s32 $0xFFFFC000  }
0x29f: {  	v8 =	vsub.f32 v33, v8;
	v17 =	vld [tilespmem:s0+$0x8000]  }
0x2a0: {  	v2 =	vadd.f32 v16, v2  }
0x2a1: {  	v16 =	vmul.f32 v18, v20;
	v7 =	vsub.f32 v32, v7;
	v8 =	vmul.f32 v8, v8;
	v18 =	vld [tilespmem:s0+$0x8010];
	_ =	sdelay $0x1  }
0x2a2: {  	v2 =	vadd.f32 v16, v2;
	v7 =	vmul.f32 v7, v7;
	v8 =	vmul.f32 v12, v8;
	v20 =	vld [tilespmem:s0+$0x8020]  }
0x2a3: {  	v12 =	vmul.f32 $1.000000000e+01, v17  }
0x2a4: {  	v4 =	vsub.f32 v11, v4;
	v2 =	vadd.f32 v8, v2;
	v7 =	vmul.f32 v13, v7;
	v21 =	vld [tilespmem:s0+$0x8030]  }
0x2a5: {  	v8 =	vmul.f32 $1.000000000e+01, v18;
	v11 =	vadd.f32 $5.000000000e-01, v12  }
0x2a6: {  	v6 =	vsub.f32 v31, v6;
	v2 =	vadd.f32 v7, v2;
	v12 =	vmul.f32 v4, v4  }
0x2a7: {  	v4 =	vmul.f32 $1.000000000e+01, v20;
	v7 =	vadd.f32 $5.000000000e-01, v8;
	v8 =	vtrunc.f32 v11  }
0x2a8: {  	s22 =	simm.s32 $0x80;
	s26 =	simm.s32 $0x40;
	v6 =	vmul.f32 v6, v6;
	v10 =	vsub.f32 v28, v10;
	v8 =	vcvt.f32.s32 v8  }
0x2a9: {  	s2 =	sand.u32 $0x40, s26;
	s1 =	sand.u32 $0x7F00, s22;
	v11 =	vmul.f32 $1.000000000e+01, v21;
	v13 =	vadd.f32 $5.000000000e-01, v4;
	v7 =	vtrunc.f32 v7  }
0x2aa: {  	s2 =	sor.u32 s2, s1;
	v6 =	vmul.f32 v14, v6;
	v22 =	vld [tilespmem:s0+$0x30];
	v14 =	vcvt.f32.s32 v7  }
0x2ab: {  	v10 =	vmul.f32 v10, v10;
	v4 =	vld [tilespmem:s2+$0x8030];
	v7 =	vtrunc.f32 v13;
	v11 =	vadd.f32 $5.000000000e-01, v11  }
0x2ac: {  	v12 =	vmul.f32 v15, v12;
	v13 =	vadd.f32 v6, v2;
	v6 =	vld [tilespmem:s2+$0x8010];
	v15 =	vcvt.f32.s32 v7  }
0x2ad: {  	v9 =	vsub.f32 v29, v9;
	v5 =	vsub.f32 v24, v5;
	v7 =	vld [tilespmem:s2+$0x8000];
	v11 =	vtrunc.f32 v11  }
0x2ae: {  	v10 =	vmul.f32 v25, v10;
	v16 =	vcvt.f32.s32 v11;
	v11 =	vadd.f32 v12, v13;
	v12 =	vld.idx.msk [tilespmem:v8+s21+$0x0], $0xffff  }
0x2af: {  	v3 =	vsub.f32 v34, v3;
	v9 =	vmul.f32 v9, v9;
	v2 =	vld [tilespmem:s2+$0x8020]  }
0x2b0: {  	v5 =	vmul.f32 v5, v5;
	v10 =	vadd.f32 v10, v11;
	v11 =	vld.idx.msk [tilespmem:v14+s21+$0x0], $0xffff  }
0x2b1: {  	v23 =	vmul.f32 v3, v3;
	v9 =	vmul.f32 v26, v9;
	v25 =	vld [tilespmem:s0+$0x20]  }
0x2b2: {  	v26 =	vmul.f32 v27, v5;
	v3 =	vmul.f32 $1.000000000e+01, v7;
	v13 =	vld.idx.msk [tilespmem:v15+s21+$0x0], $0xffff  }
0x2b3: {  	s28 =	simm.s32 $0x100;
	s29 =	simm.s32 $0x80;
	v29 =	vld [tilespmem:s0+$0x10];
	v27 =	vmul.f32 $1.000000000e+01, v4;
	v5 =	vmul.f32 $1.000000000e+01, v6;
	vm0 =	vgt.f32 v17, v12  }
0x2b4: {  	s1 =	sand.u32 $0x7F00, s28;
	s3 =	sand.u32 $0x40, s29;
	v24 =	vadd.f32 v9, v10;
	v3 =	vadd.f32 $5.000000000e-01, v3;
	v28 =	vld.idx.msk [tilespmem:v16+s21+$0x0], $0xffff;
	v9 =	vsel vm0, $0x1, v1  }
0x2b5: {  	s31 =	sor.u32 s3, s1;
	v30 =	vld [tilespmem:s0+$0x0];
	v12 =	vmul.f32 $1.000000000e+01, v2;
	vm0 =	vgt.f32 v18, v11;
	v31 =	vadd.s32 v9, v8  }
0x2b6: {  	v9 =	vadd.f32 $5.000000000e-01, v5;
	v8 =	vtrunc.f32 v3;
	v3 =	vld [tilespmem:s31+$0x8030];
	v11 =	vsel vm0, $0x1, v1  }
0x2b7: {  	v5 =	vld [tilespmem:s31+$0x8020];
	vm0 =	vgt.f32 v20, v13;
	v10 =	vcvt.f32.s32 v8;
	v62 =	vadd.s32 v11, v14  }
0x2b8: {  	v11 =	vadd.f32 $5.000000000e-01, v12;
	v8 =	vld [tilespmem:s31+$0x8010];
	v12 =	vtrunc.f32 v9;
	v9 =	vsel vm0, $0x1, v1  }
0x2b9: {  	v14 =	vld [tilespmem:s2+$0x30];
	vm0 =	vgt.f32 v21, v28;
	v15 =	vadd.s32 v9, v15;
	v12 =	vcvt.f32.s32 v12  }
0x2ba: {  	v13 =	vadd.f32 $5.000000000e-01, v27;
	v9 =	vld [tilespmem:s31+$0x8000];
	v11 =	vtrunc.f32 v11;
	v28 =	vsel vm0, $0x1, v1  }
0x2bb: {  	v24 =	vadd.f32 v26, v24;
	v11 =	vcvt.f32.s32 v11;
	v26 =	vadd.s32 v28, v16;
	v27 =	vld.idx.msk [tilespmem:v31+s23+$0x0], $0xffff  }
0x2bc: {  	v19 =	vmul.f32 v19, v23;
	v17 =	vsub.f32 v30, v17;
	v13 =	vtrunc.f32 v13;
	v23 =	vld.idx.msk [tilespmem:v62+s23+$0x0], $0xffff  }
0x2bd: {  	v22 =	vsub.f32 v22, v21;
	v13 =	vcvt.f32.s32 v13;
	v30 =	vld.idx.msk [tilespmem:v10+s21+$0x0], $0xffff  }
0x2be: {  	v18 =	vsub.f32 v29, v18;
	v16 =	vmul.f32 $1.000000000e+01, v3;
	v31 =	vmul.f32 v17, v17;
	v17 =	vld.idx.msk [tilespmem:v15+s23+$0x0], $0xffff  }
0x2bf: {  	v28 =	vmul.f32 $1.000000000e+01, v5;
	v63 =	vmul.f32 $1.000000000e+01, v8;
	v15 =	vsub.f32 v25, v20;
	v21 =	vld.idx.msk [tilespmem:v12+s21+$0x0], $0xffff  }
0x2c0: {  	v25 =	vadd.f32 v19, v24;
	v27 =	vmul.f32 v27, v31;
	v31 =	vmul.f32 v18, v18;
	v18 =	vld.idx.msk [tilespmem:v26+s23+$0x0], $0xffff  }
0x2c1: {  	v29 =	vmul.f32 $1.000000000e+01, v9;
	v19 =	vmul.f32 v22, v22;
	v22 =	vadd.f32 $5.000000000e-01, v28;
	v20 =	vld.idx.msk [tilespmem:v11+s21+$0x0], $0xffff  }
0x2c2: {  	v24 =	vmul.f32 v15, v15;
	v15 =	vld [tilespmem:s2+$0x20];
	v25 =	vadd.f32 v27, v25;
	v26 =	vmul.f32 v23, v31  }
0x2c3: {  	s1 =	simm.s32 $0x180;
	s3 =	simm.s32 $0xC0;
	s0 =	simm.s32 $0x8;
	v28 =	vadd.f32 $5.000000000e-01, v29;
	v27 =	vadd.f32 $5.000000000e-01, v63;
	vm0 =	vgt.f32 v7, v30;
	v23 =	vld.idx.msk [tilespmem:v13+s21+$0x0], $0xffff  }
.LBB2_42:
0x2c4: {  	s19 =	sand.u32 $0x40, s3;
	s20 =	sand.u32 $0x7F00, s1;
	v29 =	vsel vm0, $0x1, v1;
	v30 =	vld [tilespmem:s2+$0x10];
	v25 =	vadd.f32 v26, v25;
	v17 =	vmul.f32 v17, v24  }
0x2c5: {  	vm0 =	vgt.f32 v6, v21;
	v24 =	vtrunc.f32 v28;
	v26 =	vld [tilespmem:s2+$0x0];
	v28 =	vadd.s32 v29, v10;
	s2 =	smov.u32 s31;
	s31 =	sor.u32 s19, s20  }
0x2c6: {  	v29 =	vsel vm0, $0x1, v1;
	v18 =	vmul.f32 v18, v19;
	v21 =	vld [tilespmem:s31+$0x8030];
	v17 =	vadd.f32 v17, v25  }
0x2c7: {  	v10 =	vcvt.f32.s32 v24;
	v24 =	vadd.s32 v29, v12;
	vm0 =	vgt.f32 v2, v20;
	v19 =	vld [tilespmem:s31+$0x8020]  }
0x2c8: {  	v12 =	vtrunc.f32 v27;
	v25 =	vsel vm0, $0x1, v1;
	v20 =	vld [tilespmem:s31+$0x8010];
	v27 =	vadd.f32 v18, v17  }
0x2c9: {  	v12 =	vcvt.f32.s32 v12;
	v17 =	vadd.s32 v25, v11;
	vm0 =	vgt.f32 v4, v23;
	v29 =	vld [tilespmem:s31+$0x8000]  }
0x2ca: {  	v16 =	vadd.f32 $5.000000000e-01, v16;
	v11 =	vtrunc.f32 v22;
	v22 =	vsel vm0, $0x1, v1;
	v18 =	vld.idx.msk [tilespmem:v28+s23+$0x0], $0xffff  }
0x2cb: {  	s0 =	sadd.s32 $0x4, s0;
	v11 =	vcvt.f32.s32 v11;
	v22 =	vadd.s32 v22, v13;
	v23 =	vld [tilespmem:s2+$0x30]  }
0x2cc: {  	p0 =	slt.u32 s0, $0x3FC;
	v13 =	vtrunc.f32 v16;
	v25 =	vsub.f32 v26, v7;
	v7 =	vmov v9;
	v26 =	vld.idx.msk [tilespmem:v24+s23+$0x0], $0xffff  }
0x2cd: {  	v14 =	vsub.f32 v14, v4;
	v4 =	vmovc v3;
	v16 =	vmul.f32 $1.000000000e+01, v21;
	v13 =	vcvt.f32.s32 v13;
	v3 =	vmovc v21;
	v31 =	vld.idx.msk [tilespmem:v10+s21+$0x0], $0xffff  }
0x2ce: {  	v28 =	vmul.f32 $1.000000000e+01, v19;
	v34 =	vmul.f32 v25, v25;
	v24 =	vsub.f32 v30, v6;
	v6 =	vmovc v8;
	v17 =	vld.idx.msk [tilespmem:v17+s23+$0x0], $0xffff  }
.Ltmp20:
0x2cf: {  	v15 =	vsub.f32 v15, v2;
	v2 =	vmovc v5;
	v5 =	vmovc v19;
	v32 =	vmul.f32 $1.000000000e+01, v20;
	v30 =	vmul.f32 $1.000000000e+01, v29;
	v21 =	vld.idx.msk [tilespmem:v12+s21+$0x0], $0xffff;
	(pc) =	sbr.rel @p0 .LBB2_42-.Ltmp20, $4  }
0x2d0: {  	v8 =	vmovc v20;
	v33 =	vmul.f32 v24, v24;
	v9 =	vmov v29;
	v25 =	vmul.f32 v18, v34;
	v18 =	vld.idx.msk [tilespmem:v22+s23+$0x0], $0xffff  }
0x2d1: {  	v19 =	vmul.f32 v14, v14;
	v24 =	vmul.f32 v15, v15;
	v14 =	vmov v23;
	v20 =	vld.idx.msk [tilespmem:v11+s21+$0x0], $0xffff  }
0x2d2: {  	v22 =	vadd.f32 $5.000000000e-01, v28;
	v25 =	vadd.f32 v25, v27;
	v26 =	vmul.f32 v26, v33;
	v15 =	vld [tilespmem:s2+$0x20]  }
0x2d3: {  	s1 =	sadd.s32 $0x80, s1;
	s3 =	sadd.s32 $0x40, s3;
	v28 =	vadd.f32 $5.000000000e-01, v30;
	v27 =	vadd.f32 $5.000000000e-01, v32;
	vm0 =	vgt.f32 v7, v31;
	v23 =	vld.idx.msk [tilespmem:v13+s21+$0x0], $0xffff  }
0x2d4: {  	_ = 	snop  }
0x2d5: {  	v28 =	vtrunc.f32 v28  }
0x2d6: {  	v28 =	vcvt.f32.s32 v28  }
0x2d7: {  	v27 =	vtrunc.f32 v27  }
0x2d8: {  	v27 =	vcvt.f32.s32 v27  }
0x2d9: {  	v29 =	vsel vm0, $0x1, v1;
	v22 =	vtrunc.f32 v22;
	v16 =	vadd.f32 $5.000000000e-01, v16  }
0x2da: {  	vm9 =	vgt.f32 v6, v21;
	v10 =	vadd.s32 v29, v10;
	v36 =	vcvt.f32.s32 v22  }
0x2db: {  	v37 =	vld [tilespmem:s2+$0x0];
	v38 =	vsel vm9, $0x1, v1;
	v16 =	vtrunc.f32 v16  }
0x2dc: {  	v12 =	vadd.s32 v38, v12;
	v16 =	vcvt.f32.s32 v16;
	v39 =	vld.idx.msk [tilespmem:v28+s21+$0x0], $0xffff  }
0x2dd: {  	v40 =	vld [tilespmem:s2+$0x10];
	vm10 =	vgt.f32 v2, v20  }
0x2de: {  	v25 =	vadd.f32 v26, v25;
	v17 =	vmul.f32 v17, v24;
	v41 =	vsel vm10, $0x1, v1;
	v42 =	vld.idx.msk [tilespmem:v27+s21+$0x0], $0xffff  }
0x2df: {  	v45 =	vsub.f32 v14, v4;
	v11 =	vadd.s32 v41, v11;
	vm11 =	vgt.f32 v4, v23;
	v10 =	vld.idx.msk [tilespmem:v10+s23+$0x0], $0xffff  }
0x2e0: {  	v18 =	vmul.f32 v18, v19;
	v17 =	vadd.f32 v17, v25;
	v43 =	vsel vm11, $0x1, v1;
	v44 =	vld.idx.msk [tilespmem:v36+s21+$0x0], $0xffff  }
0x2e1: {  	v7 =	vsub.f32 v37, v7;
	v13 =	vadd.s32 v43, v13;
	v12 =	vld.idx.msk [tilespmem:v12+s23+$0x0], $0xffff;
	vm12 =	vgt.f32 v9, v39  }
0x2e2: {  	v2 =	vsub.f32 v15, v2;
	v46 =	vsub.f32 v40, v6;
	v47 =	vld.idx.msk [tilespmem:v16+s21+$0x0], $0xffff;
	v48 =	vsel vm12, $0x1, v1  }
0x2e3: {  	v50 =	vld [tilespmem:s31+$0x0];
	v7 =	vmul.f32 v7, v7;
	vm13 =	vgt.f32 v8, v42;
	v49 =	vadd.s32 v48, v28  }
0x2e4: {  	v17 =	vadd.f32 v18, v17;
	v6 =	vmul.f32 v46, v46;
	v11 =	vld.idx.msk [tilespmem:v11+s23+$0x0], $0xffff;
	v51 =	vsel vm13, $0x1, v1  }
0x2e5: {  	v52 =	vld [tilespmem:s31+$0x10];
	v7 =	vmul.f32 v10, v7;
	vm14 =	vgt.f32 v5, v44;
	v18 =	vadd.s32 v51, v27  }
0x2e6: {  	v2 =	vmul.f32 v2, v2;
	v13 =	vld.idx.msk [tilespmem:v13+s23+$0x0], $0xffff;
	v6 =	vmul.f32 v12, v6;
	v53 =	vsel vm14, $0x1, v1  }
0x2e7: {  	v54 =	vld [tilespmem:s31+$0x20];
	v7 =	vadd.f32 v7, v17;
	v17 =	vadd.s32 v53, v36;
	vm15 =	vgt.f32 v3, v47  }
0x2e8: {  	v4 =	vmul.f32 v45, v45;
	v58 =	vsub.f32 v50, v9;
	v56 =	vsel vm15, $0x1, v1;
	v55 =	vld.idx.msk [tilespmem:v49+s23+$0x0], $0xffff  }
0x2e9: {  	v57 =	vld [tilespmem:s31+$0x30];
	v2 =	vmul.f32 v11, v2;
	v6 =	vadd.f32 v6, v7;
	v11 =	vadd.s32 v56, v16  }
0x2ea: {  	v60 =	vsub.f32 v52, v8;
	v59 =	vld.idx.msk [tilespmem:v18+s23+$0x0], $0xffff  }
0x2eb: {  	v9 =	vmul.f32 v58, v58;
	v4 =	vmul.f32 v13, v4;
	v2 =	vadd.f32 v2, v6  }
0x2ec: {  	v62 =	vsub.f32 v54, v5;
	v61 =	vld.idx.msk [tilespmem:v17+s23+$0x0], $0xffff  }
0x2ed: {  	v8 =	vmul.f32 v60, v60;
	v2 =	vadd.f32 v4, v2;
	v7 =	vmul.f32 v55, v9  }
0x2ee: {  	v5 =	vmul.f32 v62, v62;
	v63 =	vld.idx.msk [tilespmem:v11+s23+$0x0], $0xffff  }
0x2ef: {  	v3 =	vsub.f32 v57, v3;
	v6 =	vmul.f32 v59, v8;
	v2 =	vadd.f32 v7, v2;
	_ =	sdelay $0x1  }
0x2f0: {  	v3 =	vmul.f32 v3, v3;
	v4 =	vmul.f32 v61, v5;
	v2 =	vadd.f32 v6, v2;
	_ =	sdelay $0x1  }
0x2f1: {  	v3 =	vmul.f32 v63, v3;
	v2 =	vadd.f32 v4, v2;
	_ =	sdelay $0x1  }
0x2f2: {  	v2 =	vadd.f32 v3, v2;
	_ =	sdelay $0x1  }
0x2f3: {  	s0 =	rddreg [dreg:$0x6];
	s1 =	simm.s32 $0x10100;
	[tilespmem:$0x10100] =	vst v2  }
0x2f4: {  	[hbm4b:s0+s4] =	stream.linear.scatter [tilespmem:s1], [sflag:$0x5], $0x80, $0x38;
	[tilespmem:$0x10180] =	vst v63  }
0x2f5: {  	s1 =	simm.s32 $0x5  }
0x2f6: {  	_ =	swait.ge [sflag:s1], $0x80  }
0x2f7: {  	s30 =	sadd.s32 $0x1, s30;
	s31 =	rddreg [dreg:$0x7]  }
0x2f8: {  	p0 =	sne.s32 s30, s31  }
.Ltmp21:
0x2f9: {  	_ = 	snop;
	(pc) =	sbr.rel @p0 .LBB2_1-.Ltmp21, $3  }
0x2fa: {  	_ =	sdelay $0x1  }
0x2fb: {  	[sflag:s1] =	ssyncset.done $0x0  }
0x2fc: {  	[sflag:s1] =	ssyncadd.s32 $0xFFFFFF80  }
0x2fd: {  	_ =	sfence.sel $0x180000  }
0x2fe: {  	[bflag:$0x0] =	sbarrier.arrive $0xFFFF  }
0x2ff: {  	_ =	strace $0x90000047  }
0x300: {  	s0 =	stileid.u32;
	[bflag:$0x2] =	sbarrier.arrive $0xFFFF  }
0x301: {  	p0 =	sne.s32 s0, $0x0;
	s0 =	rddreg [dreg:$0x5]  }
0x302: {  	s0 =	sadd.s32 @!p0 $0x100000, s0  }
0x303: {  	[sflag:s0] =	ssyncadd.tile.s32 @!p0 $0x1;
	_ =	shalt  }
.Lfunc_end2:
_tile_overlayer_lowered:
.L_overlay_start_2:
0x304: {  	(tag) =	ssettag $0x2  }
0x305: {  	s0 =	rddreg [dreg:$0x0];
	s2 =	stileid.u32  }
0x306: {  	s1 =	rddreg [dreg:$0x1];
	p0 =	sne.s32 s2, $0x0  }
0x307: {  	s3 =	rddreg [dreg:$0x2];
	[bflag:$0x3] =	sbarrier.arrive $0xFFFF;
	s2 =	simm.s32 @!p0 $0x1C05  }
0x308: {  	[timem:s3], [sflag:s2] =	dma.local @!p0 [hbm:s0], s1  }
0x309: {  	s0 =	simm.s32 @!p0 $0x5  }
0x30a: {  	_ =	swait.ge @!p0 [sflag:s0], s1  }
0x30b: {  	s1 =	ssub.s32 @!p0 $0x0, s1;
	[sflag:s0] =	ssyncset.done @!p0 $0x0  }
0x30c: {  	[sflag:s0] =	ssyncadd.s32 @!p0 s1  }
0x30d: {  	[bflag:$0x3] =	sbarrier.arrive $0xFFFF  }
0x30e: {  	_ =	shalt  }

</sc_bundles>
